<compile_context>
chip_gen: v7x
topology: tpu7x:2x2x1
jax: 0.10.2.dev20260603
libtpu: 0.0.44.dev20260713+nightly
codegen_flags: <defaults>
</compile_context>

<pallas_src>
import functools

import jax
import jax.numpy as jnp
from jax import lax
from jax.experimental import pallas as pl
from jax.experimental.pallas import tpu as pltpu
from jax.experimental.pallas import tpu_sc as plsc

_LANES = 128
_R = 512


def _round_up(x, m):
    return (x + m - 1) // m * m


def _num_workers():
    info = plsc.get_sparse_core_info()
    return info.num_cores, info.num_subcores


def _sc_gather(table, idx):
    e_pad = idx.shape[0]
    d = table.shape[1]
    nc, ns = _num_workers()
    nw = nc * ns
    per_w = e_pad // nw
    assert e_pad % (nw * _LANES) == 0
    n_ch = per_w // _LANES
    mesh = plsc.VectorSubcoreMesh(core_axis_name="c", subcore_axis_name="s")

    nb = 6

    @functools.partial(
        pl.kernel,
        mesh=mesh,
        out_type=jax.ShapeDtypeStruct((e_pad, d), jnp.float32),
        scratch_types=(
            [pltpu.VMEM((per_w,), jnp.int32)]
            + [pltpu.VMEM((_LANES, d), jnp.float32)] * nb
            + [pltpu.SemaphoreType.DMA] * (2 * nb)
        ),
    )
    def k(table_hbm, idx_hbm, out_hbm, idx_v, *bufs_and_sems):
        bufs = bufs_and_sems[:nb]
        gsems = bufs_and_sems[nb:2 * nb]
        wsems = bufs_and_sems[2 * nb:3 * nb]
        wid = lax.axis_index("s") * nc + lax.axis_index("c")
        base = wid * per_w
        pltpu.sync_copy(idx_hbm.at[pl.ds(base, per_w)], idx_v)

        def _sel(sl, go):
            for i in range(nb):
                pl.when(sl == i)(functools.partial(go, bufs[i], gsems[i],
                                                   wsems[i]))

        def gstart(c, sl):
            def go(buf, gsm, wsm):
                pltpu.async_copy(
                    table_hbm.at[idx_v.at[pl.ds(c * _LANES, _LANES)]],
                    buf, gsm)
            _sel(sl, go)

        def gwait(sl):
            def go(buf, gsm, wsm):
                pltpu.make_async_copy(
                    table_hbm.at[pl.ds(0, _LANES)], buf, gsm).wait()
            _sel(sl, go)

        def wstart(c, sl):
            def go(buf, gsm, wsm):
                pltpu.async_copy(
                    buf, out_hbm.at[pl.ds(base + c * _LANES, _LANES)], wsm)
            _sel(sl, go)

        def wwait(sl):
            def go(buf, gsm, wsm):
                pltpu.make_async_copy(
                    table_hbm.at[pl.ds(0, _LANES)], buf, wsm).wait()
            _sel(sl, go)

        for i in range(min(3, n_ch)):
            gstart(jnp.int32(i), jnp.int32(i))

        def body(c, carry):
            sl = c % nb
            pl.when(c >= 3)(lambda: wwait((c - 3) % nb))
            pl.when(c + 3 < n_ch)(lambda: gstart(c + 3, (c + 3) % nb))
            gwait(sl)
            wstart(c, sl)
            return carry

        lax.fori_loop(0, n_ch, body, 0)
        for cc in range(max(0, n_ch - 3), n_ch):
            wwait(jnp.int32(cc % nb))

    return k(table, idx)


def _sc_scatter(rows, idx3):
    n_pad, d = rows.shape
    nw, kk, _ = idx3.shape
    per_w = kk * _LANES
    nc, ns = _num_workers()
    assert nw == nc * ns and n_pad == nw * per_w
    mesh = plsc.VectorSubcoreMesh(core_axis_name="c", subcore_axis_name="s")

    @functools.partial(
        pl.kernel,
        mesh=mesh,
        out_type=jax.ShapeDtypeStruct((n_pad, d), jnp.float32),
        scratch_types=[
            pltpu.VMEM((kk, _LANES), jnp.int32),
            pltpu.VMEM((_LANES, d), jnp.float32),
            pltpu.SemaphoreType.DMA,
        ],
    )
    def k(rows_hbm, idx_hbm, out_hbm, idx_v, buf_v, sem):
        wid = lax.axis_index("s") * nc + lax.axis_index("c")
        pltpu.sync_copy(idx_hbm.at[wid], idx_v)
        for c in range(kk):
            pltpu.sync_copy(
                rows_hbm.at[pl.ds(wid * per_w + c * _LANES, _LANES)], buf_v)
            pltpu.async_copy(buf_v, out_hbm.at[idx_v.at[c]], sem).wait()

    return k(rows, idx3)


def _lstm_packed(deg_sorted, x_tm, wih_t, whh_t, bias, n_pad, interpret=False):
    e_pad, d = x_tm.shape
    h = whh_t.shape[0]

    def body(deg_ref, x_hbm, wih_ref, whh_ref, b_ref, h_ref, c_ref,
             xbuf0, xbuf1, sem0, sem1):
        h_ref[...] = jnp.zeros_like(h_ref)
        c_ref[...] = jnp.zeros_like(c_ref)
        max_deg = deg_ref[0]

        def issue(sl, start):
            def go(buf, sm):
                pltpu.make_async_copy(
                    x_hbm.at[pl.ds(start, _R)], buf, sm).start()
            pl.when(sl == 0)(lambda: go(xbuf0, sem0))
            pl.when(sl != 0)(lambda: go(xbuf1, sem1))

        def wait_slot(sl):
            def go(buf, sm):
                pltpu.make_async_copy(
                    x_hbm.at[pl.ds(0, _R)], buf, sm).wait()
            pl.when(sl == 0)(lambda: go(xbuf0, sem0))
            pl.when(sl != 0)(lambda: go(xbuf1, sem1))

        issue(jnp.int32(0), jnp.int32(0))

        def t_cond(s):
            return s[0] < max_deg

        def t_body(s):
            t, ptr, cnt, k = s

            def c_cond(c):
                return jnp.logical_and(c > 0, deg_ref[c - 1] <= t)

            cnt = lax.while_loop(c_cond, lambda c: c - 1, cnt)
            nch = (cnt + (_R - 1)) // _R

            def chunk(ci, k):
                row0 = ci * _R
                nxt = jnp.where(ci + 1 < nch, ptr + row0 + _R, ptr + cnt)
                issue((k + 1) % 2, nxt)
                wait_slot(k % 2)
                x = lax.cond(k % 2 == 0, lambda: xbuf0[...],
                             lambda: xbuf1[...])
                hs = h_ref[pl.ds(row0, _R), :]
                cs = c_ref[pl.ds(row0, _R), :]
                g = jnp.dot(x, wih_ref[...], preferred_element_type=jnp.float32)
                g = g + jnp.dot(hs, whh_ref[...],
                                preferred_element_type=jnp.float32)
                g = g + b_ref[...]
                gi = jax.nn.sigmoid(g[:, :h])
                gf = jax.nn.sigmoid(g[:, h:2 * h])
                gg = jnp.tanh(g[:, 2 * h:3 * h])
                go = jax.nn.sigmoid(g[:, 3 * h:])
                c_new = gf * cs + gi * gg
                h_new = go * jnp.tanh(c_new)
                m = (row0 + lax.broadcasted_iota(jnp.int32, (_R, 1), 0)) < cnt
                h_ref[pl.ds(row0, _R), :] = jnp.where(m, h_new, hs)
                c_ref[pl.ds(row0, _R), :] = jnp.where(m, c_new, cs)
                return k + 1

            k = lax.fori_loop(0, nch, chunk, k)
            return (t + 1, ptr + cnt, cnt, k)

        s_fin = lax.while_loop(
            t_cond, t_body,
            (jnp.int32(0), jnp.int32(0), jnp.int32(n_pad), jnp.int32(0)))
        wait_slot(s_fin[3] % 2)

    return pl.pallas_call(
        body,
        in_specs=[
            pl.BlockSpec(memory_space=pltpu.SMEM),
            pl.BlockSpec(memory_space=pl.ANY),
            pl.BlockSpec(memory_space=pltpu.VMEM),
            pl.BlockSpec(memory_space=pltpu.VMEM),
            pl.BlockSpec(memory_space=pltpu.VMEM),
        ],
        out_specs=pl.BlockSpec(memory_space=pltpu.VMEM),
        out_shape=jax.ShapeDtypeStruct((n_pad, h), jnp.float32),
        scratch_shapes=[
            pltpu.VMEM((n_pad, h), jnp.float32),
            pltpu.VMEM((_R, d), jnp.float32),
            pltpu.VMEM((_R, d), jnp.float32),
            pltpu.SemaphoreType.DMA,
            pltpu.SemaphoreType.DMA,
        ],
        interpret=interpret,
    )(deg_sorted, x_tm, wih_t, whh_t, bias)


def _out_matmul(x_rows, agg_pad, w, blk, interpret=False):
    n_rows, d = x_rows.shape
    h = agg_pad.shape[1]
    out_f = w.shape[1]

    def body(x_ref, a_ref, w_ref, o_ref):
        o_ref[...] = (
            jnp.dot(x_ref[...], w_ref[:d, :], preferred_element_type=jnp.float32)
            + jnp.dot(a_ref[...], w_ref[d:, :],
                      preferred_element_type=jnp.float32))

    return pl.pallas_call(
        body,
        grid=(n_rows // blk,),
        in_specs=[
            pl.BlockSpec((blk, d), lambda i: (i, 0)),
            pl.BlockSpec((blk, h), lambda i: (i, 0)),
            pl.BlockSpec((d + h, out_f), lambda i: (0, 0)),
        ],
        out_specs=pl.BlockSpec((blk, out_f), lambda i: (i, 0)),
        out_shape=jax.ShapeDtypeStruct((n_rows, out_f), jnp.float32),
        interpret=interpret,
    )(x_rows, agg_pad, w)


def kernel(input_matrix, W, Wih, Whh, bih, bhh, edge_index):
    n, d = input_matrix.shape
    h = Whh.shape[1]
    e = edge_index.shape[1]
    src = edge_index[0]
    dst = edge_index[1]

    nc, ns = _num_workers()
    nw = nc * ns
    lane_blk = nw * _LANES
    n_pad = _round_up(max(n, _R), lane_blk)
    e_pad = _round_up(e + _R, lane_blk)

    fast_keys = e <= (1 << 18) and n <= (1 << 14)
    if fast_keys:
        key1 = ((src.astype(jnp.uint32) << jnp.uint32(18))
                | jnp.arange(e, dtype=jnp.uint32))
        key1_s, dst_s = lax.sort((key1, dst), num_keys=1, is_stable=False)
        src_s = (key1_s >> jnp.uint32(18)).astype(jnp.int32)
    else:
        src_s, dst_s = lax.sort((src, dst), num_keys=1, is_stable=True)
    ar = jnp.arange(e, dtype=jnp.int32)
    brk = src_s[1:] != src_s[:-1]
    is_start = jnp.concatenate([jnp.ones((1,), bool), brk])
    is_last = jnp.concatenate([brk, jnp.ones((1,), bool)])
    seg_start = lax.cummax(jnp.where(is_start, ar, 0))
    seg_last = jnp.flip(lax.cummin(jnp.flip(jnp.where(is_last, ar, e - 1))))
    t_j = ar - seg_start
    negdeg_e = seg_start - seg_last - 1
    if e < (1 << 18) and n <= (1 << 14):
        key2 = (((jnp.uint32(e) + negdeg_e.astype(jnp.uint32))
                 << jnp.uint32(14)) | src_s.astype(jnp.uint32))
        _, _, dst_packed = lax.sort(
            (t_j, key2, dst_s), num_keys=2, is_stable=False)
    else:
        _, _, _, dst_packed = lax.sort(
            (t_j, negdeg_e, src_s, dst_s), num_keys=3, is_stable=False)
    gather_idx = jnp.concatenate(
        [dst_packed, jnp.zeros((e_pad - e,), jnp.int32)])

    deg = jnp.bincount(src, length=n).astype(jnp.int32)
    if e < (1 << 18) and n <= (1 << 14):
        keyn = (((jnp.uint32(e) - deg.astype(jnp.uint32)) << jnp.uint32(14))
                | jnp.arange(n, dtype=jnp.uint32))
        keyn_s = lax.sort(keyn, is_stable=False)
        node_order = (keyn_s & jnp.uint32((1 << 14) - 1)).astype(jnp.int32)
        deg_desc = (jnp.uint32(e) - (keyn_s >> jnp.uint32(14))).astype(jnp.int32)
    else:
        negdeg_n, node_order = lax.sort(
            (-deg, jnp.arange(n, dtype=jnp.int32)), num_keys=1, is_stable=True)
        deg_desc = -negdeg_n
    deg_pad = jnp.zeros((n_pad,), jnp.int32).at[:n].set(deg_desc)

    x_tm = _sc_gather(input_matrix, gather_idx)

    wih_t = Wih.T
    whh_t = Whh.T
    bias = (bih + bhh).reshape(1, -1)
    h_fin = _lstm_packed(deg_pad, x_tm, wih_t, whh_t, bias, n_pad)

    scat = jnp.concatenate(
        [node_order, jnp.arange(n, n_pad, dtype=jnp.int32)]
    ).reshape(nw, -1, _LANES)
    agg = _sc_scatter(h_fin, scat)

    blk = next((b for b in range(min(512, n), 7, -8)
                if b % 8 == 0 and n % b == 0), None)
    if blk is not None:
        return _out_matmul(input_matrix, agg, W, blk)
    x_pad = jnp.zeros((n_pad, d), input_matrix.dtype).at[:n].set(input_matrix)
    return _out_matmul(x_pad, agg, W, _LANES)[:n]

# --- scband reference (transcript-rebuilt; emitter-appended) ---
"""Pipeline reference for scband-lstm-aggregator-6854767804437 (READ-ONLY COPY).

The authoritative reference and input builder live on the scoring server;
editing this copy changes nothing except your own understanding.
"""

import jax, jax.numpy as jnp
import numpy as np

N = 10000
E = 160000
D = 128
H = 128
OUT = 128


def setup_inputs(seed: int = 0) -> dict:
    key = jax.random.key(seed)
    ks = jax.random.split(key, 8)
    input_matrix = jax.random.normal(ks[0], (N, D), dtype=jnp.float32)
    edge_index = jax.random.randint(ks[1], (2, E), 0, N, dtype=jnp.int32)
    # learned params
    # weights_matrix: [D + H, OUT], xavier-uniform-ish
    limit = np.sqrt(6.0 / (D + H + OUT))
    W = jax.random.uniform(ks[2], (D + H, OUT), dtype=jnp.float32, minval=-limit, maxval=limit)
    # torch LSTM params (single layer): weight_ih [4H, D], weight_hh [4H, H], biases [4H]
    s = 1.0 / np.sqrt(H)
    Wih = jax.random.uniform(ks[3], (4 * H, D), dtype=jnp.float32, minval=-s, maxval=s)
    Whh = jax.random.uniform(ks[4], (4 * H, H), dtype=jnp.float32, minval=-s, maxval=s)
    bih = jax.random.uniform(ks[5], (4 * H,), dtype=jnp.float32, minval=-s, maxval=s)
    bhh = jax.random.uniform(ks[6], (4 * H,), dtype=jnp.float32, minval=-s, maxval=s)
    return {"input_matrix": input_matrix, "W": W, "Wih": Wih, "Whh": Whh, "bih": bih, "bhh": bhh, "edge_index": edge_index}


def reference(input_matrix, W, Wih, Whh, bih, bhh, edge_index):
    src = edge_index[0]
    dst = edge_index[1]
    n = input_matrix.shape[0]
    e = src.shape[0]
    d = input_matrix.shape[1]
    hdim = Whh.shape[1]
    # gather neighbor features (index_select on dim 0 by edge_trg_idxs)
    neighbors = input_matrix[dst]
    # group neighbors by src node (stable sort; the original random permutation
    # is a stochastic neighbor shuffle and is omitted for determinism)
    order = jnp.argsort(src)
    src_s = src[order]
    nb_s = neighbors[order]
    deg = jnp.bincount(src, length=n)
    h0 = jnp.zeros((n, hdim), dtype=input_matrix.dtype)
    c0 = jnp.zeros((n, hdim), dtype=input_matrix.dtype)

    def step(carry, inp):
        h_all, c_all = carry
        x_t, node = inp
        h = h_all[node]
        c = c_all[node]
        gates = x_t @ Wih.T + h @ Whh.T + bih + bhh
        i, f, g, o = jnp.split(gates, 4, axis=-1)  # torch gate order: i, f, g, o
        i = jax.nn.sigmoid(i)
        f = jax.nn.sigmoid(f)
        g = jnp.tanh(g)
        o = jax.nn.sigmoid(o)
        c_new = f * c + i * g
        h_new = o * jnp.tanh(c_new)
        h_all = h_all.at[node].set(h_new)
        c_all = c_all.at[node].set(c_new)
        return (h_all, c_all), None

    (h_fin, _), _ = jax.lax.scan(step, (h0, c0), (nb_s, src_s))
    # h_fin[node] is the hidden state after the node's last valid timestep
    # (pad_packed last time step selection); degree-0 nodes stay at h0 = 0
    lstm_out = h_fin
    # nodes with no outgoing edges keep zeros (scatter into zeros at unique src idxs)
    agg = jnp.where((deg > 0)[:, None], lstm_out, jnp.zeros_like(lstm_out))
    concat = jnp.concatenate([input_matrix, agg], axis=1)
    return concat @ W

if __name__ == "__main__":
    import jax
    _d = setup_inputs()
    print(jax.jit(kernel)(*tuple(_d.values())))

</pallas_src>

<mosaic_0001>
#map = affine_map<(d0, d1) -> (0, 0)>
#map1 = affine_map<(d0, d1) -> (0)>
module attributes {stable_mosaic.version = 14 : i64} {
  func.func @k(%arg0: i32, %arg1: i32, %arg2: memref<10000x128xf32, #tpu.memory_space<hbm>>, %arg3: memref<163840xi32, #tpu.memory_space<hbm>>, %arg4: memref<163840x128xf32, #tpu.memory_space<hbm>>, %arg5: memref<5120xi32, #tpu.memory_space<vmem>>, %arg6: memref<128x128xf32, #tpu.memory_space<vmem>>, %arg7: memref<128x128xf32, #tpu.memory_space<vmem>>, %arg8: memref<128x128xf32, #tpu.memory_space<vmem>>, %arg9: memref<128x128xf32, #tpu.memory_space<vmem>>, %arg10: memref<128x128xf32, #tpu.memory_space<vmem>>, %arg11: memref<128x128xf32, #tpu.memory_space<vmem>>, %arg12: memref<!tpu.dma_semaphore, #tpu.memory_space<semaphore_mem>>, %arg13: memref<!tpu.dma_semaphore, #tpu.memory_space<semaphore_mem>>, %arg14: memref<!tpu.dma_semaphore, #tpu.memory_space<semaphore_mem>>, %arg15: memref<!tpu.dma_semaphore, #tpu.memory_space<semaphore_mem>>, %arg16: memref<!tpu.dma_semaphore, #tpu.memory_space<semaphore_mem>>, %arg17: memref<!tpu.dma_semaphore, #tpu.memory_space<semaphore_mem>>, %arg18: memref<!tpu.dma_semaphore, #tpu.memory_space<semaphore_mem>>, %arg19: memref<!tpu.dma_semaphore, #tpu.memory_space<semaphore_mem>>, %arg20: memref<!tpu.dma_semaphore, #tpu.memory_space<semaphore_mem>>, %arg21: memref<!tpu.dma_semaphore, #tpu.memory_space<semaphore_mem>>, %arg22: memref<!tpu.dma_semaphore, #tpu.memory_space<semaphore_mem>>, %arg23: memref<!tpu.dma_semaphore, #tpu.memory_space<semaphore_mem>>) attributes {dimension_semantics = [#tpu.dimension_semantics<core_parallel>, #tpu.dimension_semantics<subcore_parallel>], iteration_bounds = array<i64: 2, 16>, scalar_prefetch = 0 : i64, scratch_operands = 19 : i64, tpu.core_type = #tpu.core_type<sc_vector_subcore>, window_params = [{transform_indices = #map}, {transform_indices = #map1}, {transform_indices = #map}]} {
    %mul3A = arith.constant 2 : i32
    %mul3A_0 = arith.muli %arg1, %mul3A : i32
    %add3A = arith.addi %mul3A_0, %arg0 : i32
    %mul3A_1 = arith.constant 5120 : i32
    %mul3A_2 = arith.muli %add3A, %mul3A_1 : i32
    "tpu.region"() ({
      %run_scoped3A = tpu.sem_alloc : memref<!tpu.dma_semaphore, #tpu.memory_space<semaphore_mem>>
      %dma_start3A = tpu.memref_slice %arg3[%mul3A_2] : memref<163840xi32, #tpu.memory_space<hbm>> -> memref<5120xi32, #tpu.memory_space<hbm>>
      %dma_start3A_239 = tpu.memref_slice %arg3[%mul3A_2] : memref<163840xi32, #tpu.memory_space<hbm>> -> memref<5120xi32, #tpu.memory_space<hbm>>
      tpu.enqueue_dma source(%dma_start3A_239 : memref<5120xi32, #tpu.memory_space<hbm>>) target(%arg5 : memref<5120xi32, #tpu.memory_space<vmem>>) target_semaphore(%run_scoped3A : memref<!tpu.dma_semaphore, #tpu.memory_space<semaphore_mem>>)
      %dma_wait3A = tpu.memref_slice %arg3[%mul3A_2] : memref<163840xi32, #tpu.memory_space<hbm>> -> memref<5120xi32, #tpu.memory_space<hbm>>
      %dma_wait3A_240 = tpu.memref_slice %arg3[%mul3A_2] : memref<163840xi32, #tpu.memory_space<hbm>> -> memref<5120xi32, #tpu.memory_space<hbm>>
      tpu.wait_dma2 semaphore(%run_scoped3A : memref<!tpu.dma_semaphore, #tpu.memory_space<semaphore_mem>>) src(%dma_wait3A_240 : memref<5120xi32, #tpu.memory_space<hbm>>) dst(%arg5 : memref<5120xi32, #tpu.memory_space<vmem>>)
      tpu.yield
    }) : () -> ()
    %eq3A = arith.constant 0 : i32
    %eq3A_3 = arith.constant 0 : i32
    %eq3A_4 = arith.cmpi eq, %eq3A, %eq3A_3 : i32
    %convert_element_type3A = arith.extui %eq3A_4 : i1 to i32
    %cond3A = arith.constant 0 : i32
    %cond3A_5 = arith.constant 0 : i32
    %cond3A_6 = arith.cmpi ne, %convert_element_type3A, %cond3A_5 : i32
    scf.if %cond3A_6 {
      %mul3A_239 = arith.constant 128 : i32
      %mul3A_240 = arith.muli %cond3A, %mul3A_239 : i32
      %dma_start3A = tpu.memref_slice %arg5[%mul3A_240] : memref<5120xi32, #tpu.memory_space<vmem>> -> memref<128xi32, #tpu.memory_space<vmem>>
      %dma_start3A_241 = arith.constant 0 : i32
      %dma_start3A_242 = arith.constant 0 : i32
      %dma_start3A_243 = tpu.memref_slice %arg2[%dma_start3A_241, %dma_start3A_242] : memref<10000x128xf32, #tpu.memory_space<hbm>> -> memref<10000x128xf32, #tpu.memory_space<hbm>>
      tpu.enqueue_indirect_dma source(%dma_start3A_243 : memref<10000x128xf32, #tpu.memory_space<hbm>>) target(%arg6 : memref<128x128xf32, #tpu.memory_space<vmem>>) offsets(%dma_start3A : memref<128xi32, #tpu.memory_space<vmem>>) semaphore(%arg12 : memref<!tpu.dma_semaphore, #tpu.memory_space<semaphore_mem>>)
    } else {
    }
    %eq3A_7 = arith.constant 0 : i32
    %eq3A_8 = arith.constant 1 : i32
    %eq3A_9 = arith.cmpi eq, %eq3A_7, %eq3A_8 : i32
    %convert_element_type3A_10 = arith.extui %eq3A_9 : i1 to i32
    %cond3A_11 = arith.constant 0 : i32
    %cond3A_12 = arith.constant 0 : i32
    %cond3A_13 = arith.cmpi ne, %convert_element_type3A_10, %cond3A_12 : i32
    scf.if %cond3A_13 {
      %mul3A_239 = arith.constant 128 : i32
      %mul3A_240 = arith.muli %cond3A_11, %mul3A_239 : i32
      %dma_start3A = tpu.memref_slice %arg5[%mul3A_240] : memref<5120xi32, #tpu.memory_space<vmem>> -> memref<128xi32, #tpu.memory_space<vmem>>
      %dma_start3A_241 = arith.constant 0 : i32
      %dma_start3A_242 = arith.constant 0 : i32
      %dma_start3A_243 = tpu.memref_slice %arg2[%dma_start3A_241, %dma_start3A_242] : memref<10000x128xf32, #tpu.memory_space<hbm>> -> memref<10000x128xf32, #tpu.memory_space<hbm>>
      tpu.enqueue_indirect_dma source(%dma_start3A_243 : memref<10000x128xf32, #tpu.memory_space<hbm>>) target(%arg7 : memref<128x128xf32, #tpu.memory_space<vmem>>) offsets(%dma_start3A : memref<128xi32, #tpu.memory_space<vmem>>) semaphore(%arg13 : memref<!tpu.dma_semaphore, #tpu.memory_space<semaphore_mem>>)
    } else {
    }
    %eq3A_14 = arith.constant 0 : i32
    %eq3A_15 = arith.constant 2 : i32
    %eq3A_16 = arith.cmpi eq, %eq3A_14, %eq3A_15 : i32
    %convert_element_type3A_17 = arith.extui %eq3A_16 : i1 to i32
    %cond3A_18 = arith.constant 0 : i32
    %cond3A_19 = arith.constant 0 : i32
    %cond3A_20 = arith.cmpi ne, %convert_element_type3A_17, %cond3A_19 : i32
    scf.if %cond3A_20 {
      %mul3A_239 = arith.constant 128 : i32
      %mul3A_240 = arith.muli %cond3A_18, %mul3A_239 : i32
      %dma_start3A = tpu.memref_slice %arg5[%mul3A_240] : memref<5120xi32, #tpu.memory_space<vmem>> -> memref<128xi32, #tpu.memory_space<vmem>>
      %dma_start3A_241 = arith.constant 0 : i32
      %dma_start3A_242 = arith.constant 0 : i32
      %dma_start3A_243 = tpu.memref_slice %arg2[%dma_start3A_241, %dma_start3A_242] : memref<10000x128xf32, #tpu.memory_space<hbm>> -> memref<10000x128xf32, #tpu.memory_space<hbm>>
      tpu.enqueue_indirect_dma source(%dma_start3A_243 : memref<10000x128xf32, #tpu.memory_space<hbm>>) target(%arg8 : memref<128x128xf32, #tpu.memory_space<vmem>>) offsets(%dma_start3A : memref<128xi32, #tpu.memory_space<vmem>>) semaphore(%arg14 : memref<!tpu.dma_semaphore, #tpu.memory_space<semaphore_mem>>)
    } else {
    }
    %eq3A_21 = arith.constant 0 : i32
    %eq3A_22 = arith.constant 3 : i32
    %eq3A_23 = arith.cmpi eq, %eq3A_21, %eq3A_22 : i32
    %convert_element_type3A_24 = arith.extui %eq3A_23 : i1 to i32
    %cond3A_25 = arith.constant 0 : i32
    %cond3A_26 = arith.constant 0 : i32
    %cond3A_27 = arith.cmpi ne, %convert_element_type3A_24, %cond3A_26 : i32
    scf.if %cond3A_27 {
      %mul3A_239 = arith.constant 128 : i32
      %mul3A_240 = arith.muli %cond3A_25, %mul3A_239 : i32
      %dma_start3A = tpu.memref_slice %arg5[%mul3A_240] : memref<5120xi32, #tpu.memory_space<vmem>> -> memref<128xi32, #tpu.memory_space<vmem>>
      %dma_start3A_241 = arith.constant 0 : i32
      %dma_start3A_242 = arith.constant 0 : i32
      %dma_start3A_243 = tpu.memref_slice %arg2[%dma_start3A_241, %dma_start3A_242] : memref<10000x128xf32, #tpu.memory_space<hbm>> -> memref<10000x128xf32, #tpu.memory_space<hbm>>
      tpu.enqueue_indirect_dma source(%dma_start3A_243 : memref<10000x128xf32, #tpu.memory_space<hbm>>) target(%arg9 : memref<128x128xf32, #tpu.memory_space<vmem>>) offsets(%dma_start3A : memref<128xi32, #tpu.memory_space<vmem>>) semaphore(%arg15 : memref<!tpu.dma_semaphore, #tpu.memory_space<semaphore_mem>>)
    } else {
    }
    %eq3A_28 = arith.constant 0 : i32
    %eq3A_29 = arith.constant 4 : i32
    %eq3A_30 = arith.cmpi eq, %eq3A_28, %eq3A_29 : i32
    %convert_element_type3A_31 = arith.extui %eq3A_30 : i1 to i32
    %cond3A_32 = arith.constant 0 : i32
    %cond3A_33 = arith.constant 0 : i32
    %cond3A_34 = arith.cmpi ne, %convert_element_type3A_31, %cond3A_33 : i32
    scf.if %cond3A_34 {
      %mul3A_239 = arith.constant 128 : i32
      %mul3A_240 = arith.muli %cond3A_32, %mul3A_239 : i32
      %dma_start3A = tpu.memref_slice %arg5[%mul3A_240] : memref<5120xi32, #tpu.memory_space<vmem>> -> memref<128xi32, #tpu.memory_space<vmem>>
      %dma_start3A_241 = arith.constant 0 : i32
      %dma_start3A_242 = arith.constant 0 : i32
      %dma_start3A_243 = tpu.memref_slice %arg2[%dma_start3A_241, %dma_start3A_242] : memref<10000x128xf32, #tpu.memory_space<hbm>> -> memref<10000x128xf32, #tpu.memory_space<hbm>>
      tpu.enqueue_indirect_dma source(%dma_start3A_243 : memref<10000x128xf32, #tpu.memory_space<hbm>>) target(%arg10 : memref<128x128xf32, #tpu.memory_space<vmem>>) offsets(%dma_start3A : memref<128xi32, #tpu.memory_space<vmem>>) semaphore(%arg16 : memref<!tpu.dma_semaphore, #tpu.memory_space<semaphore_mem>>)
    } else {
    }
    %eq3A_35 = arith.constant 0 : i32
    %eq3A_36 = arith.constant 5 : i32
    %eq3A_37 = arith.cmpi eq, %eq3A_35, %eq3A_36 : i32
    %convert_element_type3A_38 = arith.extui %eq3A_37 : i1 to i32
    %cond3A_39 = arith.constant 0 : i32
    %cond3A_40 = arith.constant 0 : i32
    %cond3A_41 = arith.cmpi ne, %convert_element_type3A_38, %cond3A_40 : i32
    scf.if %cond3A_41 {
      %mul3A_239 = arith.constant 128 : i32
      %mul3A_240 = arith.muli %cond3A_39, %mul3A_239 : i32
      %dma_start3A = tpu.memref_slice %arg5[%mul3A_240] : memref<5120xi32, #tpu.memory_space<vmem>> -> memref<128xi32, #tpu.memory_space<vmem>>
      %dma_start3A_241 = arith.constant 0 : i32
      %dma_start3A_242 = arith.constant 0 : i32
      %dma_start3A_243 = tpu.memref_slice %arg2[%dma_start3A_241, %dma_start3A_242] : memref<10000x128xf32, #tpu.memory_space<hbm>> -> memref<10000x128xf32, #tpu.memory_space<hbm>>
      tpu.enqueue_indirect_dma source(%dma_start3A_243 : memref<10000x128xf32, #tpu.memory_space<hbm>>) target(%arg11 : memref<128x128xf32, #tpu.memory_space<vmem>>) offsets(%dma_start3A : memref<128xi32, #tpu.memory_space<vmem>>) semaphore(%arg17 : memref<!tpu.dma_semaphore, #tpu.memory_space<semaphore_mem>>)
    } else {
    }
    %eq3A_42 = arith.constant 1 : i32
    %eq3A_43 = arith.constant 0 : i32
    %eq3A_44 = arith.cmpi eq, %eq3A_42, %eq3A_43 : i32
    %convert_element_type3A_45 = arith.extui %eq3A_44 : i1 to i32
    %cond3A_46 = arith.constant 1 : i32
    %cond3A_47 = arith.constant 0 : i32
    %cond3A_48 = arith.cmpi ne, %convert_element_type3A_45, %cond3A_47 : i32
    scf.if %cond3A_48 {
      %mul3A_239 = arith.constant 128 : i32
      %mul3A_240 = arith.muli %cond3A_46, %mul3A_239 : i32
      %dma_start3A = tpu.memref_slice %arg5[%mul3A_240] : memref<5120xi32, #tpu.memory_space<vmem>> -> memref<128xi32, #tpu.memory_space<vmem>>
      %dma_start3A_241 = arith.constant 0 : i32
      %dma_start3A_242 = arith.constant 0 : i32
      %dma_start3A_243 = tpu.memref_slice %arg2[%dma_start3A_241, %dma_start3A_242] : memref<10000x128xf32, #tpu.memory_space<hbm>> -> memref<10000x128xf32, #tpu.memory_space<hbm>>
      tpu.enqueue_indirect_dma source(%dma_start3A_243 : memref<10000x128xf32, #tpu.memory_space<hbm>>) target(%arg6 : memref<128x128xf32, #tpu.memory_space<vmem>>) offsets(%dma_start3A : memref<128xi32, #tpu.memory_space<vmem>>) semaphore(%arg12 : memref<!tpu.dma_semaphore, #tpu.memory_space<semaphore_mem>>)
    } else {
    }
    %eq3A_49 = arith.constant 1 : i32
    %eq3A_50 = arith.constant 1 : i32
    %eq3A_51 = arith.cmpi eq, %eq3A_49, %eq3A_50 : i32
    %convert_element_type3A_52 = arith.extui %eq3A_51 : i1 to i32
    %cond3A_53 = arith.constant 1 : i32
    %cond3A_54 = arith.constant 0 : i32
    %cond3A_55 = arith.cmpi ne, %convert_element_type3A_52, %cond3A_54 : i32
    scf.if %cond3A_55 {
      %mul3A_239 = arith.constant 128 : i32
      %mul3A_240 = arith.muli %cond3A_53, %mul3A_239 : i32
      %dma_start3A = tpu.memref_slice %arg5[%mul3A_240] : memref<5120xi32, #tpu.memory_space<vmem>> -> memref<128xi32, #tpu.memory_space<vmem>>
      %dma_start3A_241 = arith.constant 0 : i32
      %dma_start3A_242 = arith.constant 0 : i32
      %dma_start3A_243 = tpu.memref_slice %arg2[%dma_start3A_241, %dma_start3A_242] : memref<10000x128xf32, #tpu.memory_space<hbm>> -> memref<10000x128xf32, #tpu.memory_space<hbm>>
      tpu.enqueue_indirect_dma source(%dma_start3A_243 : memref<10000x128xf32, #tpu.memory_space<hbm>>) target(%arg7 : memref<128x128xf32, #tpu.memory_space<vmem>>) offsets(%dma_start3A : memref<128xi32, #tpu.memory_space<vmem>>) semaphore(%arg13 : memref<!tpu.dma_semaphore, #tpu.memory_space<semaphore_mem>>)
    } else {
    }
    %eq3A_56 = arith.constant 1 : i32
    %eq3A_57 = arith.constant 2 : i32
    %eq3A_58 = arith.cmpi eq, %eq3A_56, %eq3A_57 : i32
    %convert_element_type3A_59 = arith.extui %eq3A_58 : i1 to i32
    %cond3A_60 = arith.constant 1 : i32
    %cond3A_61 = arith.constant 0 : i32
    %cond3A_62 = arith.cmpi ne, %convert_element_type3A_59, %cond3A_61 : i32
    scf.if %cond3A_62 {
      %mul3A_239 = arith.constant 128 : i32
      %mul3A_240 = arith.muli %cond3A_60, %mul3A_239 : i32
      %dma_start3A = tpu.memref_slice %arg5[%mul3A_240] : memref<5120xi32, #tpu.memory_space<vmem>> -> memref<128xi32, #tpu.memory_space<vmem>>
      %dma_start3A_241 = arith.constant 0 : i32
      %dma_start3A_242 = arith.constant 0 : i32
      %dma_start3A_243 = tpu.memref_slice %arg2[%dma_start3A_241, %dma_start3A_242] : memref<10000x128xf32, #tpu.memory_space<hbm>> -> memref<10000x128xf32, #tpu.memory_space<hbm>>
      tpu.enqueue_indirect_dma source(%dma_start3A_243 : memref<10000x128xf32, #tpu.memory_space<hbm>>) target(%arg8 : memref<128x128xf32, #tpu.memory_space<vmem>>) offsets(%dma_start3A : memref<128xi32, #tpu.memory_space<vmem>>) semaphore(%arg14 : memref<!tpu.dma_semaphore, #tpu.memory_space<semaphore_mem>>)
    } else {
    }
    %eq3A_63 = arith.constant 1 : i32
    %eq3A_64 = arith.constant 3 : i32
    %eq3A_65 = arith.cmpi eq, %eq3A_63, %eq3A_64 : i32
    %convert_element_type3A_66 = arith.extui %eq3A_65 : i1 to i32
    %cond3A_67 = arith.constant 1 : i32
    %cond3A_68 = arith.constant 0 : i32
    %cond3A_69 = arith.cmpi ne, %convert_element_type3A_66, %cond3A_68 : i32
    scf.if %cond3A_69 {
      %mul3A_239 = arith.constant 128 : i32
      %mul3A_240 = arith.muli %cond3A_67, %mul3A_239 : i32
      %dma_start3A = tpu.memref_slice %arg5[%mul3A_240] : memref<5120xi32, #tpu.memory_space<vmem>> -> memref<128xi32, #tpu.memory_space<vmem>>
      %dma_start3A_241 = arith.constant 0 : i32
      %dma_start3A_242 = arith.constant 0 : i32
      %dma_start3A_243 = tpu.memref_slice %arg2[%dma_start3A_241, %dma_start3A_242] : memref<10000x128xf32, #tpu.memory_space<hbm>> -> memref<10000x128xf32, #tpu.memory_space<hbm>>
      tpu.enqueue_indirect_dma source(%dma_start3A_243 : memref<10000x128xf32, #tpu.memory_space<hbm>>) target(%arg9 : memref<128x128xf32, #tpu.memory_space<vmem>>) offsets(%dma_start3A : memref<128xi32, #tpu.memory_space<vmem>>) semaphore(%arg15 : memref<!tpu.dma_semaphore, #tpu.memory_space<semaphore_mem>>)
    } else {
    }
    %eq3A_70 = arith.constant 1 : i32
    %eq3A_71 = arith.constant 4 : i32
    %eq3A_72 = arith.cmpi eq, %eq3A_70, %eq3A_71 : i32
    %convert_element_type3A_73 = arith.extui %eq3A_72 : i1 to i32
    %cond3A_74 = arith.constant 1 : i32
    %cond3A_75 = arith.constant 0 : i32
    %cond3A_76 = arith.cmpi ne, %convert_element_type3A_73, %cond3A_75 : i32
    scf.if %cond3A_76 {
      %mul3A_239 = arith.constant 128 : i32
      %mul3A_240 = arith.muli %cond3A_74, %mul3A_239 : i32
      %dma_start3A = tpu.memref_slice %arg5[%mul3A_240] : memref<5120xi32, #tpu.memory_space<vmem>> -> memref<128xi32, #tpu.memory_space<vmem>>
      %dma_start3A_241 = arith.constant 0 : i32
      %dma_start3A_242 = arith.constant 0 : i32
      %dma_start3A_243 = tpu.memref_slice %arg2[%dma_start3A_241, %dma_start3A_242] : memref<10000x128xf32, #tpu.memory_space<hbm>> -> memref<10000x128xf32, #tpu.memory_space<hbm>>
      tpu.enqueue_indirect_dma source(%dma_start3A_243 : memref<10000x128xf32, #tpu.memory_space<hbm>>) target(%arg10 : memref<128x128xf32, #tpu.memory_space<vmem>>) offsets(%dma_start3A : memref<128xi32, #tpu.memory_space<vmem>>) semaphore(%arg16 : memref<!tpu.dma_semaphore, #tpu.memory_space<semaphore_mem>>)
    } else {
    }
    %eq3A_77 = arith.constant 1 : i32
    %eq3A_78 = arith.constant 5 : i32
    %eq3A_79 = arith.cmpi eq, %eq3A_77, %eq3A_78 : i32
    %convert_element_type3A_80 = arith.extui %eq3A_79 : i1 to i32
    %cond3A_81 = arith.constant 1 : i32
    %cond3A_82 = arith.constant 0 : i32
    %cond3A_83 = arith.cmpi ne, %convert_element_type3A_80, %cond3A_82 : i32
    scf.if %cond3A_83 {
      %mul3A_239 = arith.constant 128 : i32
      %mul3A_240 = arith.muli %cond3A_81, %mul3A_239 : i32
      %dma_start3A = tpu.memref_slice %arg5[%mul3A_240] : memref<5120xi32, #tpu.memory_space<vmem>> -> memref<128xi32, #tpu.memory_space<vmem>>
      %dma_start3A_241 = arith.constant 0 : i32
      %dma_start3A_242 = arith.constant 0 : i32
      %dma_start3A_243 = tpu.memref_slice %arg2[%dma_start3A_241, %dma_start3A_242] : memref<10000x128xf32, #tpu.memory_space<hbm>> -> memref<10000x128xf32, #tpu.memory_space<hbm>>
      tpu.enqueue_indirect_dma source(%dma_start3A_243 : memref<10000x128xf32, #tpu.memory_space<hbm>>) target(%arg11 : memref<128x128xf32, #tpu.memory_space<vmem>>) offsets(%dma_start3A : memref<128xi32, #tpu.memory_space<vmem>>) semaphore(%arg17 : memref<!tpu.dma_semaphore, #tpu.memory_space<semaphore_mem>>)
    } else {
    }
    %eq3A_84 = arith.constant 2 : i32
    %eq3A_85 = arith.constant 0 : i32
    %eq3A_86 = arith.cmpi eq, %eq3A_84, %eq3A_85 : i32
    %convert_element_type3A_87 = arith.extui %eq3A_86 : i1 to i32
    %cond3A_88 = arith.constant 2 : i32
    %cond3A_89 = arith.constant 0 : i32
    %cond3A_90 = arith.cmpi ne, %convert_element_type3A_87, %cond3A_89 : i32
    scf.if %cond3A_90 {
      %mul3A_239 = arith.constant 128 : i32
      %mul3A_240 = arith.muli %cond3A_88, %mul3A_239 : i32
      %dma_start3A = tpu.memref_slice %arg5[%mul3A_240] : memref<5120xi32, #tpu.memory_space<vmem>> -> memref<128xi32, #tpu.memory_space<vmem>>
      %dma_start3A_241 = arith.constant 0 : i32
      %dma_start3A_242 = arith.constant 0 : i32
      %dma_start3A_243 = tpu.memref_slice %arg2[%dma_start3A_241, %dma_start3A_242] : memref<10000x128xf32, #tpu.memory_space<hbm>> -> memref<10000x128xf32, #tpu.memory_space<hbm>>
      tpu.enqueue_indirect_dma source(%dma_start3A_243 : memref<10000x128xf32, #tpu.memory_space<hbm>>) target(%arg6 : memref<128x128xf32, #tpu.memory_space<vmem>>) offsets(%dma_start3A : memref<128xi32, #tpu.memory_space<vmem>>) semaphore(%arg12 : memref<!tpu.dma_semaphore, #tpu.memory_space<semaphore_mem>>)
    } else {
    }
    %eq3A_91 = arith.constant 2 : i32
    %eq3A_92 = arith.constant 1 : i32
    %eq3A_93 = arith.cmpi eq, %eq3A_91, %eq3A_92 : i32
    %convert_element_type3A_94 = arith.extui %eq3A_93 : i1 to i32
    %cond3A_95 = arith.constant 2 : i32
    %cond3A_96 = arith.constant 0 : i32
    %cond3A_97 = arith.cmpi ne, %convert_element_type3A_94, %cond3A_96 : i32
    scf.if %cond3A_97 {
      %mul3A_239 = arith.constant 128 : i32
      %mul3A_240 = arith.muli %cond3A_95, %mul3A_239 : i32
      %dma_start3A = tpu.memref_slice %arg5[%mul3A_240] : memref<5120xi32, #tpu.memory_space<vmem>> -> memref<128xi32, #tpu.memory_space<vmem>>
      %dma_start3A_241 = arith.constant 0 : i32
      %dma_start3A_242 = arith.constant 0 : i32
      %dma_start3A_243 = tpu.memref_slice %arg2[%dma_start3A_241, %dma_start3A_242] : memref<10000x128xf32, #tpu.memory_space<hbm>> -> memref<10000x128xf32, #tpu.memory_space<hbm>>
      tpu.enqueue_indirect_dma source(%dma_start3A_243 : memref<10000x128xf32, #tpu.memory_space<hbm>>) target(%arg7 : memref<128x128xf32, #tpu.memory_space<vmem>>) offsets(%dma_start3A : memref<128xi32, #tpu.memory_space<vmem>>) semaphore(%arg13 : memref<!tpu.dma_semaphore, #tpu.memory_space<semaphore_mem>>)
    } else {
    }
    %eq3A_98 = arith.constant 2 : i32
    %eq3A_99 = arith.constant 2 : i32
    %eq3A_100 = arith.cmpi eq, %eq3A_98, %eq3A_99 : i32
    %convert_element_type3A_101 = arith.extui %eq3A_100 : i1 to i32
    %cond3A_102 = arith.constant 2 : i32
    %cond3A_103 = arith.constant 0 : i32
    %cond3A_104 = arith.cmpi ne, %convert_element_type3A_101, %cond3A_103 : i32
    scf.if %cond3A_104 {
      %mul3A_239 = arith.constant 128 : i32
      %mul3A_240 = arith.muli %cond3A_102, %mul3A_239 : i32
      %dma_start3A = tpu.memref_slice %arg5[%mul3A_240] : memref<5120xi32, #tpu.memory_space<vmem>> -> memref<128xi32, #tpu.memory_space<vmem>>
      %dma_start3A_241 = arith.constant 0 : i32
      %dma_start3A_242 = arith.constant 0 : i32
      %dma_start3A_243 = tpu.memref_slice %arg2[%dma_start3A_241, %dma_start3A_242] : memref<10000x128xf32, #tpu.memory_space<hbm>> -> memref<10000x128xf32, #tpu.memory_space<hbm>>
      tpu.enqueue_indirect_dma source(%dma_start3A_243 : memref<10000x128xf32, #tpu.memory_space<hbm>>) target(%arg8 : memref<128x128xf32, #tpu.memory_space<vmem>>) offsets(%dma_start3A : memref<128xi32, #tpu.memory_space<vmem>>) semaphore(%arg14 : memref<!tpu.dma_semaphore, #tpu.memory_space<semaphore_mem>>)
    } else {
    }
    %eq3A_105 = arith.constant 2 : i32
    %eq3A_106 = arith.constant 3 : i32
    %eq3A_107 = arith.cmpi eq, %eq3A_105, %eq3A_106 : i32
    %convert_element_type3A_108 = arith.extui %eq3A_107 : i1 to i32
    %cond3A_109 = arith.constant 2 : i32
    %cond3A_110 = arith.constant 0 : i32
    %cond3A_111 = arith.cmpi ne, %convert_element_type3A_108, %cond3A_110 : i32
    scf.if %cond3A_111 {
      %mul3A_239 = arith.constant 128 : i32
      %mul3A_240 = arith.muli %cond3A_109, %mul3A_239 : i32
      %dma_start3A = tpu.memref_slice %arg5[%mul3A_240] : memref<5120xi32, #tpu.memory_space<vmem>> -> memref<128xi32, #tpu.memory_space<vmem>>
      %dma_start3A_241 = arith.constant 0 : i32
      %dma_start3A_242 = arith.constant 0 : i32
      %dma_start3A_243 = tpu.memref_slice %arg2[%dma_start3A_241, %dma_start3A_242] : memref<10000x128xf32, #tpu.memory_space<hbm>> -> memref<10000x128xf32, #tpu.memory_space<hbm>>
      tpu.enqueue_indirect_dma source(%dma_start3A_243 : memref<10000x128xf32, #tpu.memory_space<hbm>>) target(%arg9 : memref<128x128xf32, #tpu.memory_space<vmem>>) offsets(%dma_start3A : memref<128xi32, #tpu.memory_space<vmem>>) semaphore(%arg15 : memref<!tpu.dma_semaphore, #tpu.memory_space<semaphore_mem>>)
    } else {
    }
    %eq3A_112 = arith.constant 2 : i32
    %eq3A_113 = arith.constant 4 : i32
    %eq3A_114 = arith.cmpi eq, %eq3A_112, %eq3A_113 : i32
    %convert_element_type3A_115 = arith.extui %eq3A_114 : i1 to i32
    %cond3A_116 = arith.constant 2 : i32
    %cond3A_117 = arith.constant 0 : i32
    %cond3A_118 = arith.cmpi ne, %convert_element_type3A_115, %cond3A_117 : i32
    scf.if %cond3A_118 {
      %mul3A_239 = arith.constant 128 : i32
      %mul3A_240 = arith.muli %cond3A_116, %mul3A_239 : i32
      %dma_start3A = tpu.memref_slice %arg5[%mul3A_240] : memref<5120xi32, #tpu.memory_space<vmem>> -> memref<128xi32, #tpu.memory_space<vmem>>
      %dma_start3A_241 = arith.constant 0 : i32
      %dma_start3A_242 = arith.constant 0 : i32
      %dma_start3A_243 = tpu.memref_slice %arg2[%dma_start3A_241, %dma_start3A_242] : memref<10000x128xf32, #tpu.memory_space<hbm>> -> memref<10000x128xf32, #tpu.memory_space<hbm>>
      tpu.enqueue_indirect_dma source(%dma_start3A_243 : memref<10000x128xf32, #tpu.memory_space<hbm>>) target(%arg10 : memref<128x128xf32, #tpu.memory_space<vmem>>) offsets(%dma_start3A : memref<128xi32, #tpu.memory_space<vmem>>) semaphore(%arg16 : memref<!tpu.dma_semaphore, #tpu.memory_space<semaphore_mem>>)
    } else {
    }
    %eq3A_119 = arith.constant 2 : i32
    %eq3A_120 = arith.constant 5 : i32
    %eq3A_121 = arith.cmpi eq, %eq3A_119, %eq3A_120 : i32
    %convert_element_type3A_122 = arith.extui %eq3A_121 : i1 to i32
    %cond3A_123 = arith.constant 2 : i32
    %cond3A_124 = arith.constant 0 : i32
    %cond3A_125 = arith.cmpi ne, %convert_element_type3A_122, %cond3A_124 : i32
    scf.if %cond3A_125 {
      %mul3A_239 = arith.constant 128 : i32
      %mul3A_240 = arith.muli %cond3A_123, %mul3A_239 : i32
      %dma_start3A = tpu.memref_slice %arg5[%mul3A_240] : memref<5120xi32, #tpu.memory_space<vmem>> -> memref<128xi32, #tpu.memory_space<vmem>>
      %dma_start3A_241 = arith.constant 0 : i32
      %dma_start3A_242 = arith.constant 0 : i32
      %dma_start3A_243 = tpu.memref_slice %arg2[%dma_start3A_241, %dma_start3A_242] : memref<10000x128xf32, #tpu.memory_space<hbm>> -> memref<10000x128xf32, #tpu.memory_space<hbm>>
      tpu.enqueue_indirect_dma source(%dma_start3A_243 : memref<10000x128xf32, #tpu.memory_space<hbm>>) target(%arg11 : memref<128x128xf32, #tpu.memory_space<vmem>>) offsets(%dma_start3A : memref<128xi32, #tpu.memory_space<vmem>>) semaphore(%arg17 : memref<!tpu.dma_semaphore, #tpu.memory_space<semaphore_mem>>)
    } else {
    }
    %scan3A = arith.constant 0 : i32
    %scan3A_126 = arith.constant 0 : i32
    %scan3A_127 = arith.constant 40 : i32
    %scan3A_128 = arith.addi %scan3A_126, %scan3A_127 : i32
    %scan3A_129 = arith.constant 1 : i32
    scf.for %scan3A_239 = %scan3A_126 to %scan3A_128 step %scan3A_129  : i32 {
      %jit3A = arith.constant 6 : i32
      %eq3A_240 = arith.constant 0 : i32
      %eq3A_241 = arith.cmpi eq, %jit3A, %eq3A_240 : i32
      %jit3A_242 = arith.constant 1 : i32
      %select_n3A = arith.select %eq3A_241, %jit3A_242, %jit3A : i32
      %rem3A = arith.remsi %scan3A_239, %select_n3A : i32
      %ne3A = arith.constant 0 : i32
      %ne3A_243 = arith.cmpi ne, %rem3A, %ne3A : i32
      %lt3A = arith.constant 0 : i32
      %lt3A_244 = arith.cmpi slt, %rem3A, %lt3A : i32
      %lt3A_245 = arith.constant 0 : i32
      %lt3A_246 = arith.cmpi slt, %select_n3A, %lt3A_245 : i32
      %ne3A_247 = arith.xori %lt3A_244, %lt3A_246 : i1
      %and3A = arith.andi %ne3A_247, %ne3A_243 : i1
      %add3A_248 = arith.addi %rem3A, %select_n3A : i32
      %select_n3A_249 = arith.select %and3A, %add3A_248, %rem3A : i32
      %ge3A = arith.constant 3 : i32
      %ge3A_250 = arith.cmpi sge, %scan3A_239, %ge3A : i32
      %convert_element_type3A_251 = arith.extui %ge3A_250 : i1 to i32
      %cond3A_252 = arith.constant 0 : i32
      %cond3A_253 = arith.cmpi ne, %convert_element_type3A_251, %cond3A_252 : i32
      scf.if %cond3A_253 {
        %sub3A = arith.constant 3 : i32
        %sub3A_321 = arith.subi %scan3A_239, %sub3A : i32
        %jit3A_322 = arith.constant 6 : i32
        %eq3A_323 = arith.constant 0 : i32
        %eq3A_324 = arith.cmpi eq, %jit3A_322, %eq3A_323 : i32
        %jit3A_325 = arith.constant 1 : i32
        %select_n3A_326 = arith.select %eq3A_324, %jit3A_325, %jit3A_322 : i32
        %rem3A_327 = arith.remsi %sub3A_321, %select_n3A_326 : i32
        %ne3A_328 = arith.constant 0 : i32
        %ne3A_329 = arith.cmpi ne, %rem3A_327, %ne3A_328 : i32
        %lt3A_330 = arith.constant 0 : i32
        %lt3A_331 = arith.cmpi slt, %rem3A_327, %lt3A_330 : i32
        %lt3A_332 = arith.constant 0 : i32
        %lt3A_333 = arith.cmpi slt, %select_n3A_326, %lt3A_332 : i32
        %ne3A_334 = arith.xori %lt3A_331, %lt3A_333 : i1
        %and3A_335 = arith.andi %ne3A_334, %ne3A_329 : i1
        %add3A_336 = arith.addi %rem3A_327, %select_n3A_326 : i32
        %select_n3A_337 = arith.select %and3A_335, %add3A_336, %rem3A_327 : i32
        %eq3A_338 = arith.constant 0 : i32
        %eq3A_339 = arith.cmpi eq, %select_n3A_337, %eq3A_338 : i32
        %convert_element_type3A_340 = arith.extui %eq3A_339 : i1 to i32
        %cond3A_341 = arith.constant 0 : i32
        %cond3A_342 = arith.cmpi ne, %convert_element_type3A_340, %cond3A_341 : i32
        scf.if %cond3A_342 {
          %dma_wait3A = arith.constant 0 : i32
          %dma_wait3A_368 = arith.constant 0 : i32
          %dma_wait3A_369 = tpu.memref_slice %arg2[%dma_wait3A, %dma_wait3A_368] : memref<10000x128xf32, #tpu.memory_space<hbm>> -> memref<128x128xf32, #tpu.memory_space<hbm>>
          %dma_wait3A_370 = arith.constant 0 : i32
          %dma_wait3A_371 = arith.constant 0 : i32
          %dma_wait3A_372 = tpu.memref_slice %arg2[%dma_wait3A_370, %dma_wait3A_371] : memref<10000x128xf32, #tpu.memory_space<hbm>> -> memref<128x128xf32, #tpu.memory_space<hbm>>
          tpu.wait_dma2 semaphore(%arg18 : memref<!tpu.dma_semaphore, #tpu.memory_space<semaphore_mem>>) src(%dma_wait3A_372 : memref<128x128xf32, #tpu.memory_space<hbm>>) dst(%arg6 : memref<128x128xf32, #tpu.memory_space<vmem>>)
        } else {
        }
        %eq3A_343 = arith.constant 1 : i32
        %eq3A_344 = arith.cmpi eq, %select_n3A_337, %eq3A_343 : i32
        %convert_element_type3A_345 = arith.extui %eq3A_344 : i1 to i32
        %cond3A_346 = arith.constant 0 : i32
        %cond3A_347 = arith.cmpi ne, %convert_element_type3A_345, %cond3A_346 : i32
        scf.if %cond3A_347 {
          %dma_wait3A = arith.constant 0 : i32
          %dma_wait3A_368 = arith.constant 0 : i32
          %dma_wait3A_369 = tpu.memref_slice %arg2[%dma_wait3A, %dma_wait3A_368] : memref<10000x128xf32, #tpu.memory_space<hbm>> -> memref<128x128xf32, #tpu.memory_space<hbm>>
          %dma_wait3A_370 = arith.constant 0 : i32
          %dma_wait3A_371 = arith.constant 0 : i32
          %dma_wait3A_372 = tpu.memref_slice %arg2[%dma_wait3A_370, %dma_wait3A_371] : memref<10000x128xf32, #tpu.memory_space<hbm>> -> memref<128x128xf32, #tpu.memory_space<hbm>>
          tpu.wait_dma2 semaphore(%arg19 : memref<!tpu.dma_semaphore, #tpu.memory_space<semaphore_mem>>) src(%dma_wait3A_372 : memref<128x128xf32, #tpu.memory_space<hbm>>) dst(%arg7 : memref<128x128xf32, #tpu.memory_space<vmem>>)
        } else {
        }
        %eq3A_348 = arith.constant 2 : i32
        %eq3A_349 = arith.cmpi eq, %select_n3A_337, %eq3A_348 : i32
        %convert_element_type3A_350 = arith.extui %eq3A_349 : i1 to i32
        %cond3A_351 = arith.constant 0 : i32
        %cond3A_352 = arith.cmpi ne, %convert_element_type3A_350, %cond3A_351 : i32
        scf.if %cond3A_352 {
          %dma_wait3A = arith.constant 0 : i32
          %dma_wait3A_368 = arith.constant 0 : i32
          %dma_wait3A_369 = tpu.memref_slice %arg2[%dma_wait3A, %dma_wait3A_368] : memref<10000x128xf32, #tpu.memory_space<hbm>> -> memref<128x128xf32, #tpu.memory_space<hbm>>
          %dma_wait3A_370 = arith.constant 0 : i32
          %dma_wait3A_371 = arith.constant 0 : i32
          %dma_wait3A_372 = tpu.memref_slice %arg2[%dma_wait3A_370, %dma_wait3A_371] : memref<10000x128xf32, #tpu.memory_space<hbm>> -> memref<128x128xf32, #tpu.memory_space<hbm>>
          tpu.wait_dma2 semaphore(%arg20 : memref<!tpu.dma_semaphore, #tpu.memory_space<semaphore_mem>>) src(%dma_wait3A_372 : memref<128x128xf32, #tpu.memory_space<hbm>>) dst(%arg8 : memref<128x128xf32, #tpu.memory_space<vmem>>)
        } else {
        }
        %eq3A_353 = arith.constant 3 : i32
        %eq3A_354 = arith.cmpi eq, %select_n3A_337, %eq3A_353 : i32
        %convert_element_type3A_355 = arith.extui %eq3A_354 : i1 to i32
        %cond3A_356 = arith.constant 0 : i32
        %cond3A_357 = arith.cmpi ne, %convert_element_type3A_355, %cond3A_356 : i32
        scf.if %cond3A_357 {
          %dma_wait3A = arith.constant 0 : i32
          %dma_wait3A_368 = arith.constant 0 : i32
          %dma_wait3A_369 = tpu.memref_slice %arg2[%dma_wait3A, %dma_wait3A_368] : memref<10000x128xf32, #tpu.memory_space<hbm>> -> memref<128x128xf32, #tpu.memory_space<hbm>>
          %dma_wait3A_370 = arith.constant 0 : i32
          %dma_wait3A_371 = arith.constant 0 : i32
          %dma_wait3A_372 = tpu.memref_slice %arg2[%dma_wait3A_370, %dma_wait3A_371] : memref<10000x128xf32, #tpu.memory_space<hbm>> -> memref<128x128xf32, #tpu.memory_space<hbm>>
          tpu.wait_dma2 semaphore(%arg21 : memref<!tpu.dma_semaphore, #tpu.memory_space<semaphore_mem>>) src(%dma_wait3A_372 : memref<128x128xf32, #tpu.memory_space<hbm>>) dst(%arg9 : memref<128x128xf32, #tpu.memory_space<vmem>>)
        } else {
        }
        %eq3A_358 = arith.constant 4 : i32
        %eq3A_359 = arith.cmpi eq, %select_n3A_337, %eq3A_358 : i32
        %convert_element_type3A_360 = arith.extui %eq3A_359 : i1 to i32
        %cond3A_361 = arith.constant 0 : i32
        %cond3A_362 = arith.cmpi ne, %convert_element_type3A_360, %cond3A_361 : i32
        scf.if %cond3A_362 {
          %dma_wait3A = arith.constant 0 : i32
          %dma_wait3A_368 = arith.constant 0 : i32
          %dma_wait3A_369 = tpu.memref_slice %arg2[%dma_wait3A, %dma_wait3A_368] : memref<10000x128xf32, #tpu.memory_space<hbm>> -> memref<128x128xf32, #tpu.memory_space<hbm>>
          %dma_wait3A_370 = arith.constant 0 : i32
          %dma_wait3A_371 = arith.constant 0 : i32
          %dma_wait3A_372 = tpu.memref_slice %arg2[%dma_wait3A_370, %dma_wait3A_371] : memref<10000x128xf32, #tpu.memory_space<hbm>> -> memref<128x128xf32, #tpu.memory_space<hbm>>
          tpu.wait_dma2 semaphore(%arg22 : memref<!tpu.dma_semaphore, #tpu.memory_space<semaphore_mem>>) src(%dma_wait3A_372 : memref<128x128xf32, #tpu.memory_space<hbm>>) dst(%arg10 : memref<128x128xf32, #tpu.memory_space<vmem>>)
        } else {
        }
        %eq3A_363 = arith.constant 5 : i32
        %eq3A_364 = arith.cmpi eq, %select_n3A_337, %eq3A_363 : i32
        %convert_element_type3A_365 = arith.extui %eq3A_364 : i1 to i32
        %cond3A_366 = arith.constant 0 : i32
        %cond3A_367 = arith.cmpi ne, %convert_element_type3A_365, %cond3A_366 : i32
        scf.if %cond3A_367 {
          %dma_wait3A = arith.constant 0 : i32
          %dma_wait3A_368 = arith.constant 0 : i32
          %dma_wait3A_369 = tpu.memref_slice %arg2[%dma_wait3A, %dma_wait3A_368] : memref<10000x128xf32, #tpu.memory_space<hbm>> -> memref<128x128xf32, #tpu.memory_space<hbm>>
          %dma_wait3A_370 = arith.constant 0 : i32
          %dma_wait3A_371 = arith.constant 0 : i32
          %dma_wait3A_372 = tpu.memref_slice %arg2[%dma_wait3A_370, %dma_wait3A_371] : memref<10000x128xf32, #tpu.memory_space<hbm>> -> memref<128x128xf32, #tpu.memory_space<hbm>>
          tpu.wait_dma2 semaphore(%arg23 : memref<!tpu.dma_semaphore, #tpu.memory_space<semaphore_mem>>) src(%dma_wait3A_372 : memref<128x128xf32, #tpu.memory_space<hbm>>) dst(%arg11 : memref<128x128xf32, #tpu.memory_space<vmem>>)
        } else {
        }
      } else {
      }
      %add3A_254 = arith.constant 3 : i32
      %add3A_255 = arith.addi %scan3A_239, %add3A_254 : i32
      %lt3A_256 = arith.constant 40 : i32
      %lt3A_257 = arith.cmpi slt, %add3A_255, %lt3A_256 : i32
      %convert_element_type3A_258 = arith.extui %lt3A_257 : i1 to i32
      %cond3A_259 = arith.constant 0 : i32
      %cond3A_260 = arith.cmpi ne, %convert_element_type3A_258, %cond3A_259 : i32
      scf.if %cond3A_260 {
        %add3A_321 = arith.constant 3 : i32
        %add3A_322 = arith.addi %scan3A_239, %add3A_321 : i32
        %add3A_323 = arith.constant 3 : i32
        %add3A_324 = arith.addi %scan3A_239, %add3A_323 : i32
        %jit3A_325 = arith.constant 6 : i32
        %eq3A_326 = arith.constant 0 : i32
        %eq3A_327 = arith.cmpi eq, %jit3A_325, %eq3A_326 : i32
        %jit3A_328 = arith.constant 1 : i32
        %select_n3A_329 = arith.select %eq3A_327, %jit3A_328, %jit3A_325 : i32
        %rem3A_330 = arith.remsi %add3A_324, %select_n3A_329 : i32
        %ne3A_331 = arith.constant 0 : i32
        %ne3A_332 = arith.cmpi ne, %rem3A_330, %ne3A_331 : i32
        %lt3A_333 = arith.constant 0 : i32
        %lt3A_334 = arith.cmpi slt, %rem3A_330, %lt3A_333 : i32
        %lt3A_335 = arith.constant 0 : i32
        %lt3A_336 = arith.cmpi slt, %select_n3A_329, %lt3A_335 : i32
        %ne3A_337 = arith.xori %lt3A_334, %lt3A_336 : i1
        %and3A_338 = arith.andi %ne3A_337, %ne3A_332 : i1
        %add3A_339 = arith.addi %rem3A_330, %select_n3A_329 : i32
        %select_n3A_340 = arith.select %and3A_338, %add3A_339, %rem3A_330 : i32
        %eq3A_341 = arith.constant 0 : i32
        %eq3A_342 = arith.cmpi eq, %select_n3A_340, %eq3A_341 : i32
        %convert_element_type3A_343 = arith.extui %eq3A_342 : i1 to i32
        %cond3A_344 = arith.constant 0 : i32
        %cond3A_345 = arith.cmpi ne, %convert_element_type3A_343, %cond3A_344 : i32
        scf.if %cond3A_345 {
          %mul3A_371 = arith.constant 128 : i32
          %mul3A_372 = arith.muli %add3A_322, %mul3A_371 : i32
          %dma_start3A = tpu.memref_slice %arg5[%mul3A_372] : memref<5120xi32, #tpu.memory_space<vmem>> -> memref<128xi32, #tpu.memory_space<vmem>>
          %dma_start3A_373 = arith.constant 0 : i32
          %dma_start3A_374 = arith.constant 0 : i32
          %dma_start3A_375 = tpu.memref_slice %arg2[%dma_start3A_373, %dma_start3A_374] : memref<10000x128xf32, #tpu.memory_space<hbm>> -> memref<10000x128xf32, #tpu.memory_space<hbm>>
          tpu.enqueue_indirect_dma source(%dma_start3A_375 : memref<10000x128xf32, #tpu.memory_space<hbm>>) target(%arg6 : memref<128x128xf32, #tpu.memory_space<vmem>>) offsets(%dma_start3A : memref<128xi32, #tpu.memory_space<vmem>>) semaphore(%arg12 : memref<!tpu.dma_semaphore, #tpu.memory_space<semaphore_mem>>)
        } else {
        }
        %eq3A_346 = arith.constant 1 : i32
        %eq3A_347 = arith.cmpi eq, %select_n3A_340, %eq3A_346 : i32
        %convert_element_type3A_348 = arith.extui %eq3A_347 : i1 to i32
        %cond3A_349 = arith.constant 0 : i32
        %cond3A_350 = arith.cmpi ne, %convert_element_type3A_348, %cond3A_349 : i32
        scf.if %cond3A_350 {
          %mul3A_371 = arith.constant 128 : i32
          %mul3A_372 = arith.muli %add3A_322, %mul3A_371 : i32
          %dma_start3A = tpu.memref_slice %arg5[%mul3A_372] : memref<5120xi32, #tpu.memory_space<vmem>> -> memref<128xi32, #tpu.memory_space<vmem>>
          %dma_start3A_373 = arith.constant 0 : i32
          %dma_start3A_374 = arith.constant 0 : i32
          %dma_start3A_375 = tpu.memref_slice %arg2[%dma_start3A_373, %dma_start3A_374] : memref<10000x128xf32, #tpu.memory_space<hbm>> -> memref<10000x128xf32, #tpu.memory_space<hbm>>
          tpu.enqueue_indirect_dma source(%dma_start3A_375 : memref<10000x128xf32, #tpu.memory_space<hbm>>) target(%arg7 : memref<128x128xf32, #tpu.memory_space<vmem>>) offsets(%dma_start3A : memref<128xi32, #tpu.memory_space<vmem>>) semaphore(%arg13 : memref<!tpu.dma_semaphore, #tpu.memory_space<semaphore_mem>>)
        } else {
        }
        %eq3A_351 = arith.constant 2 : i32
        %eq3A_352 = arith.cmpi eq, %select_n3A_340, %eq3A_351 : i32
        %convert_element_type3A_353 = arith.extui %eq3A_352 : i1 to i32
        %cond3A_354 = arith.constant 0 : i32
        %cond3A_355 = arith.cmpi ne, %convert_element_type3A_353, %cond3A_354 : i32
        scf.if %cond3A_355 {
          %mul3A_371 = arith.constant 128 : i32
          %mul3A_372 = arith.muli %add3A_322, %mul3A_371 : i32
          %dma_start3A = tpu.memref_slice %arg5[%mul3A_372] : memref<5120xi32, #tpu.memory_space<vmem>> -> memref<128xi32, #tpu.memory_space<vmem>>
          %dma_start3A_373 = arith.constant 0 : i32
          %dma_start3A_374 = arith.constant 0 : i32
          %dma_start3A_375 = tpu.memref_slice %arg2[%dma_start3A_373, %dma_start3A_374] : memref<10000x128xf32, #tpu.memory_space<hbm>> -> memref<10000x128xf32, #tpu.memory_space<hbm>>
          tpu.enqueue_indirect_dma source(%dma_start3A_375 : memref<10000x128xf32, #tpu.memory_space<hbm>>) target(%arg8 : memref<128x128xf32, #tpu.memory_space<vmem>>) offsets(%dma_start3A : memref<128xi32, #tpu.memory_space<vmem>>) semaphore(%arg14 : memref<!tpu.dma_semaphore, #tpu.memory_space<semaphore_mem>>)
        } else {
        }
        %eq3A_356 = arith.constant 3 : i32
        %eq3A_357 = arith.cmpi eq, %select_n3A_340, %eq3A_356 : i32
        %convert_element_type3A_358 = arith.extui %eq3A_357 : i1 to i32
        %cond3A_359 = arith.constant 0 : i32
        %cond3A_360 = arith.cmpi ne, %convert_element_type3A_358, %cond3A_359 : i32
        scf.if %cond3A_360 {
          %mul3A_371 = arith.constant 128 : i32
          %mul3A_372 = arith.muli %add3A_322, %mul3A_371 : i32
          %dma_start3A = tpu.memref_slice %arg5[%mul3A_372] : memref<5120xi32, #tpu.memory_space<vmem>> -> memref<128xi32, #tpu.memory_space<vmem>>
          %dma_start3A_373 = arith.constant 0 : i32
          %dma_start3A_374 = arith.constant 0 : i32
          %dma_start3A_375 = tpu.memref_slice %arg2[%dma_start3A_373, %dma_start3A_374] : memref<10000x128xf32, #tpu.memory_space<hbm>> -> memref<10000x128xf32, #tpu.memory_space<hbm>>
          tpu.enqueue_indirect_dma source(%dma_start3A_375 : memref<10000x128xf32, #tpu.memory_space<hbm>>) target(%arg9 : memref<128x128xf32, #tpu.memory_space<vmem>>) offsets(%dma_start3A : memref<128xi32, #tpu.memory_space<vmem>>) semaphore(%arg15 : memref<!tpu.dma_semaphore, #tpu.memory_space<semaphore_mem>>)
        } else {
        }
        %eq3A_361 = arith.constant 4 : i32
        %eq3A_362 = arith.cmpi eq, %select_n3A_340, %eq3A_361 : i32
        %convert_element_type3A_363 = arith.extui %eq3A_362 : i1 to i32
        %cond3A_364 = arith.constant 0 : i32
        %cond3A_365 = arith.cmpi ne, %convert_element_type3A_363, %cond3A_364 : i32
        scf.if %cond3A_365 {
          %mul3A_371 = arith.constant 128 : i32
          %mul3A_372 = arith.muli %add3A_322, %mul3A_371 : i32
          %dma_start3A = tpu.memref_slice %arg5[%mul3A_372] : memref<5120xi32, #tpu.memory_space<vmem>> -> memref<128xi32, #tpu.memory_space<vmem>>
          %dma_start3A_373 = arith.constant 0 : i32
          %dma_start3A_374 = arith.constant 0 : i32
          %dma_start3A_375 = tpu.memref_slice %arg2[%dma_start3A_373, %dma_start3A_374] : memref<10000x128xf32, #tpu.memory_space<hbm>> -> memref<10000x128xf32, #tpu.memory_space<hbm>>
          tpu.enqueue_indirect_dma source(%dma_start3A_375 : memref<10000x128xf32, #tpu.memory_space<hbm>>) target(%arg10 : memref<128x128xf32, #tpu.memory_space<vmem>>) offsets(%dma_start3A : memref<128xi32, #tpu.memory_space<vmem>>) semaphore(%arg16 : memref<!tpu.dma_semaphore, #tpu.memory_space<semaphore_mem>>)
        } else {
        }
        %eq3A_366 = arith.constant 5 : i32
        %eq3A_367 = arith.cmpi eq, %select_n3A_340, %eq3A_366 : i32
        %convert_element_type3A_368 = arith.extui %eq3A_367 : i1 to i32
        %cond3A_369 = arith.constant 0 : i32
        %cond3A_370 = arith.cmpi ne, %convert_element_type3A_368, %cond3A_369 : i32
        scf.if %cond3A_370 {
          %mul3A_371 = arith.constant 128 : i32
          %mul3A_372 = arith.muli %add3A_322, %mul3A_371 : i32
          %dma_start3A = tpu.memref_slice %arg5[%mul3A_372] : memref<5120xi32, #tpu.memory_space<vmem>> -> memref<128xi32, #tpu.memory_space<vmem>>
          %dma_start3A_373 = arith.constant 0 : i32
          %dma_start3A_374 = arith.constant 0 : i32
          %dma_start3A_375 = tpu.memref_slice %arg2[%dma_start3A_373, %dma_start3A_374] : memref<10000x128xf32, #tpu.memory_space<hbm>> -> memref<10000x128xf32, #tpu.memory_space<hbm>>
          tpu.enqueue_indirect_dma source(%dma_start3A_375 : memref<10000x128xf32, #tpu.memory_space<hbm>>) target(%arg11 : memref<128x128xf32, #tpu.memory_space<vmem>>) offsets(%dma_start3A : memref<128xi32, #tpu.memory_space<vmem>>) semaphore(%arg17 : memref<!tpu.dma_semaphore, #tpu.memory_space<semaphore_mem>>)
        } else {
        }
      } else {
      }
      %eq3A_261 = arith.constant 0 : i32
      %eq3A_262 = arith.cmpi eq, %select_n3A_249, %eq3A_261 : i32
      %convert_element_type3A_263 = arith.extui %eq3A_262 : i1 to i32
      %cond3A_264 = arith.constant 0 : i32
      %cond3A_265 = arith.cmpi ne, %convert_element_type3A_263, %cond3A_264 : i32
      scf.if %cond3A_265 {
        %dma_wait3A = arith.constant 0 : i32
        %dma_wait3A_321 = arith.constant 0 : i32
        %dma_wait3A_322 = tpu.memref_slice %arg2[%dma_wait3A, %dma_wait3A_321] : memref<10000x128xf32, #tpu.memory_space<hbm>> -> memref<128x128xf32, #tpu.memory_space<hbm>>
        %dma_wait3A_323 = arith.constant 0 : i32
        %dma_wait3A_324 = arith.constant 0 : i32
        %dma_wait3A_325 = tpu.memref_slice %arg2[%dma_wait3A_323, %dma_wait3A_324] : memref<10000x128xf32, #tpu.memory_space<hbm>> -> memref<128x128xf32, #tpu.memory_space<hbm>>
        tpu.wait_dma2 semaphore(%arg12 : memref<!tpu.dma_semaphore, #tpu.memory_space<semaphore_mem>>) src(%dma_wait3A_325 : memref<128x128xf32, #tpu.memory_space<hbm>>) dst(%arg6 : memref<128x128xf32, #tpu.memory_space<vmem>>)
      } else {
      }
      %eq3A_266 = arith.constant 1 : i32
      %eq3A_267 = arith.cmpi eq, %select_n3A_249, %eq3A_266 : i32
      %convert_element_type3A_268 = arith.extui %eq3A_267 : i1 to i32
      %cond3A_269 = arith.constant 0 : i32
      %cond3A_270 = arith.cmpi ne, %convert_element_type3A_268, %cond3A_269 : i32
      scf.if %cond3A_270 {
        %dma_wait3A = arith.constant 0 : i32
        %dma_wait3A_321 = arith.constant 0 : i32
        %dma_wait3A_322 = tpu.memref_slice %arg2[%dma_wait3A, %dma_wait3A_321] : memref<10000x128xf32, #tpu.memory_space<hbm>> -> memref<128x128xf32, #tpu.memory_space<hbm>>
        %dma_wait3A_323 = arith.constant 0 : i32
        %dma_wait3A_324 = arith.constant 0 : i32
        %dma_wait3A_325 = tpu.memref_slice %arg2[%dma_wait3A_323, %dma_wait3A_324] : memref<10000x128xf32, #tpu.memory_space<hbm>> -> memref<128x128xf32, #tpu.memory_space<hbm>>
        tpu.wait_dma2 semaphore(%arg13 : memref<!tpu.dma_semaphore, #tpu.memory_space<semaphore_mem>>) src(%dma_wait3A_325 : memref<128x128xf32, #tpu.memory_space<hbm>>) dst(%arg7 : memref<128x128xf32, #tpu.memory_space<vmem>>)
      } else {
      }
      %eq3A_271 = arith.constant 2 : i32
      %eq3A_272 = arith.cmpi eq, %select_n3A_249, %eq3A_271 : i32
      %convert_element_type3A_273 = arith.extui %eq3A_272 : i1 to i32
      %cond3A_274 = arith.constant 0 : i32
      %cond3A_275 = arith.cmpi ne, %convert_element_type3A_273, %cond3A_274 : i32
      scf.if %cond3A_275 {
        %dma_wait3A = arith.constant 0 : i32
        %dma_wait3A_321 = arith.constant 0 : i32
        %dma_wait3A_322 = tpu.memref_slice %arg2[%dma_wait3A, %dma_wait3A_321] : memref<10000x128xf32, #tpu.memory_space<hbm>> -> memref<128x128xf32, #tpu.memory_space<hbm>>
        %dma_wait3A_323 = arith.constant 0 : i32
        %dma_wait3A_324 = arith.constant 0 : i32
        %dma_wait3A_325 = tpu.memref_slice %arg2[%dma_wait3A_323, %dma_wait3A_324] : memref<10000x128xf32, #tpu.memory_space<hbm>> -> memref<128x128xf32, #tpu.memory_space<hbm>>
        tpu.wait_dma2 semaphore(%arg14 : memref<!tpu.dma_semaphore, #tpu.memory_space<semaphore_mem>>) src(%dma_wait3A_325 : memref<128x128xf32, #tpu.memory_space<hbm>>) dst(%arg8 : memref<128x128xf32, #tpu.memory_space<vmem>>)
      } else {
      }
      %eq3A_276 = arith.constant 3 : i32
      %eq3A_277 = arith.cmpi eq, %select_n3A_249, %eq3A_276 : i32
      %convert_element_type3A_278 = arith.extui %eq3A_277 : i1 to i32
      %cond3A_279 = arith.constant 0 : i32
      %cond3A_280 = arith.cmpi ne, %convert_element_type3A_278, %cond3A_279 : i32
      scf.if %cond3A_280 {
        %dma_wait3A = arith.constant 0 : i32
        %dma_wait3A_321 = arith.constant 0 : i32
        %dma_wait3A_322 = tpu.memref_slice %arg2[%dma_wait3A, %dma_wait3A_321] : memref<10000x128xf32, #tpu.memory_space<hbm>> -> memref<128x128xf32, #tpu.memory_space<hbm>>
        %dma_wait3A_323 = arith.constant 0 : i32
        %dma_wait3A_324 = arith.constant 0 : i32
        %dma_wait3A_325 = tpu.memref_slice %arg2[%dma_wait3A_323, %dma_wait3A_324] : memref<10000x128xf32, #tpu.memory_space<hbm>> -> memref<128x128xf32, #tpu.memory_space<hbm>>
        tpu.wait_dma2 semaphore(%arg15 : memref<!tpu.dma_semaphore, #tpu.memory_space<semaphore_mem>>) src(%dma_wait3A_325 : memref<128x128xf32, #tpu.memory_space<hbm>>) dst(%arg9 : memref<128x128xf32, #tpu.memory_space<vmem>>)
      } else {
      }
      %eq3A_281 = arith.constant 4 : i32
      %eq3A_282 = arith.cmpi eq, %select_n3A_249, %eq3A_281 : i32
      %convert_element_type3A_283 = arith.extui %eq3A_282 : i1 to i32
      %cond3A_284 = arith.constant 0 : i32
      %cond3A_285 = arith.cmpi ne, %convert_element_type3A_283, %cond3A_284 : i32
      scf.if %cond3A_285 {
        %dma_wait3A = arith.constant 0 : i32
        %dma_wait3A_321 = arith.constant 0 : i32
        %dma_wait3A_322 = tpu.memref_slice %arg2[%dma_wait3A, %dma_wait3A_321] : memref<10000x128xf32, #tpu.memory_space<hbm>> -> memref<128x128xf32, #tpu.memory_space<hbm>>
        %dma_wait3A_323 = arith.constant 0 : i32
        %dma_wait3A_324 = arith.constant 0 : i32
        %dma_wait3A_325 = tpu.memref_slice %arg2[%dma_wait3A_323, %dma_wait3A_324] : memref<10000x128xf32, #tpu.memory_space<hbm>> -> memref<128x128xf32, #tpu.memory_space<hbm>>
        tpu.wait_dma2 semaphore(%arg16 : memref<!tpu.dma_semaphore, #tpu.memory_space<semaphore_mem>>) src(%dma_wait3A_325 : memref<128x128xf32, #tpu.memory_space<hbm>>) dst(%arg10 : memref<128x128xf32, #tpu.memory_space<vmem>>)
      } else {
      }
      %eq3A_286 = arith.constant 5 : i32
      %eq3A_287 = arith.cmpi eq, %select_n3A_249, %eq3A_286 : i32
      %convert_element_type3A_288 = arith.extui %eq3A_287 : i1 to i32
      %cond3A_289 = arith.constant 0 : i32
      %cond3A_290 = arith.cmpi ne, %convert_element_type3A_288, %cond3A_289 : i32
      scf.if %cond3A_290 {
        %dma_wait3A = arith.constant 0 : i32
        %dma_wait3A_321 = arith.constant 0 : i32
        %dma_wait3A_322 = tpu.memref_slice %arg2[%dma_wait3A, %dma_wait3A_321] : memref<10000x128xf32, #tpu.memory_space<hbm>> -> memref<128x128xf32, #tpu.memory_space<hbm>>
        %dma_wait3A_323 = arith.constant 0 : i32
        %dma_wait3A_324 = arith.constant 0 : i32
        %dma_wait3A_325 = tpu.memref_slice %arg2[%dma_wait3A_323, %dma_wait3A_324] : memref<10000x128xf32, #tpu.memory_space<hbm>> -> memref<128x128xf32, #tpu.memory_space<hbm>>
        tpu.wait_dma2 semaphore(%arg17 : memref<!tpu.dma_semaphore, #tpu.memory_space<semaphore_mem>>) src(%dma_wait3A_325 : memref<128x128xf32, #tpu.memory_space<hbm>>) dst(%arg11 : memref<128x128xf32, #tpu.memory_space<vmem>>)
      } else {
      }
      %eq3A_291 = arith.constant 0 : i32
      %eq3A_292 = arith.cmpi eq, %select_n3A_249, %eq3A_291 : i32
      %convert_element_type3A_293 = arith.extui %eq3A_292 : i1 to i32
      %cond3A_294 = arith.constant 0 : i32
      %cond3A_295 = arith.cmpi ne, %convert_element_type3A_293, %cond3A_294 : i32
      scf.if %cond3A_295 {
        %mul3A_321 = arith.constant 128 : i32
        %mul3A_322 = arith.muli %scan3A_239, %mul3A_321 : i32
        %add3A_323 = arith.addi %mul3A_2, %mul3A_322 : i32
        %dma_start3A = arith.constant 0 : i32
        %dma_start3A_324 = tpu.memref_slice %arg4[%add3A_323, %dma_start3A] : memref<163840x128xf32, #tpu.memory_space<hbm>> -> memref<128x128xf32, #tpu.memory_space<hbm>>
        %dma_start3A_325 = arith.constant 0 : i32
        %dma_start3A_326 = tpu.memref_slice %arg4[%add3A_323, %dma_start3A_325] : memref<163840x128xf32, #tpu.memory_space<hbm>> -> memref<128x128xf32, #tpu.memory_space<hbm>>
        tpu.enqueue_dma source(%arg6 : memref<128x128xf32, #tpu.memory_space<vmem>>) target(%dma_start3A_326 : memref<128x128xf32, #tpu.memory_space<hbm>>) target_semaphore(%arg18 : memref<!tpu.dma_semaphore, #tpu.memory_space<semaphore_mem>>)
      } else {
      }
      %eq3A_296 = arith.constant 1 : i32
      %eq3A_297 = arith.cmpi eq, %select_n3A_249, %eq3A_296 : i32
      %convert_element_type3A_298 = arith.extui %eq3A_297 : i1 to i32
      %cond3A_299 = arith.constant 0 : i32
      %cond3A_300 = arith.cmpi ne, %convert_element_type3A_298, %cond3A_299 : i32
      scf.if %cond3A_300 {
        %mul3A_321 = arith.constant 128 : i32
        %mul3A_322 = arith.muli %scan3A_239, %mul3A_321 : i32
        %add3A_323 = arith.addi %mul3A_2, %mul3A_322 : i32
        %dma_start3A = arith.constant 0 : i32
        %dma_start3A_324 = tpu.memref_slice %arg4[%add3A_323, %dma_start3A] : memref<163840x128xf32, #tpu.memory_space<hbm>> -> memref<128x128xf32, #tpu.memory_space<hbm>>
        %dma_start3A_325 = arith.constant 0 : i32
        %dma_start3A_326 = tpu.memref_slice %arg4[%add3A_323, %dma_start3A_325] : memref<163840x128xf32, #tpu.memory_space<hbm>> -> memref<128x128xf32, #tpu.memory_space<hbm>>
        tpu.enqueue_dma source(%arg7 : memref<128x128xf32, #tpu.memory_space<vmem>>) target(%dma_start3A_326 : memref<128x128xf32, #tpu.memory_space<hbm>>) target_semaphore(%arg19 : memref<!tpu.dma_semaphore, #tpu.memory_space<semaphore_mem>>)
      } else {
      }
      %eq3A_301 = arith.constant 2 : i32
      %eq3A_302 = arith.cmpi eq, %select_n3A_249, %eq3A_301 : i32
      %convert_element_type3A_303 = arith.extui %eq3A_302 : i1 to i32
      %cond3A_304 = arith.constant 0 : i32
      %cond3A_305 = arith.cmpi ne, %convert_element_type3A_303, %cond3A_304 : i32
      scf.if %cond3A_305 {
        %mul3A_321 = arith.constant 128 : i32
        %mul3A_322 = arith.muli %scan3A_239, %mul3A_321 : i32
        %add3A_323 = arith.addi %mul3A_2, %mul3A_322 : i32
        %dma_start3A = arith.constant 0 : i32
        %dma_start3A_324 = tpu.memref_slice %arg4[%add3A_323, %dma_start3A] : memref<163840x128xf32, #tpu.memory_space<hbm>> -> memref<128x128xf32, #tpu.memory_space<hbm>>
        %dma_start3A_325 = arith.constant 0 : i32
        %dma_start3A_326 = tpu.memref_slice %arg4[%add3A_323, %dma_start3A_325] : memref<163840x128xf32, #tpu.memory_space<hbm>> -> memref<128x128xf32, #tpu.memory_space<hbm>>
        tpu.enqueue_dma source(%arg8 : memref<128x128xf32, #tpu.memory_space<vmem>>) target(%dma_start3A_326 : memref<128x128xf32, #tpu.memory_space<hbm>>) target_semaphore(%arg20 : memref<!tpu.dma_semaphore, #tpu.memory_space<semaphore_mem>>)
      } else {
      }
      %eq3A_306 = arith.constant 3 : i32
      %eq3A_307 = arith.cmpi eq, %select_n3A_249, %eq3A_306 : i32
      %convert_element_type3A_308 = arith.extui %eq3A_307 : i1 to i32
      %cond3A_309 = arith.constant 0 : i32
      %cond3A_310 = arith.cmpi ne, %convert_element_type3A_308, %cond3A_309 : i32
      scf.if %cond3A_310 {
        %mul3A_321 = arith.constant 128 : i32
        %mul3A_322 = arith.muli %scan3A_239, %mul3A_321 : i32
        %add3A_323 = arith.addi %mul3A_2, %mul3A_322 : i32
        %dma_start3A = arith.constant 0 : i32
        %dma_start3A_324 = tpu.memref_slice %arg4[%add3A_323, %dma_start3A] : memref<163840x128xf32, #tpu.memory_space<hbm>> -> memref<128x128xf32, #tpu.memory_space<hbm>>
        %dma_start3A_325 = arith.constant 0 : i32
        %dma_start3A_326 = tpu.memref_slice %arg4[%add3A_323, %dma_start3A_325] : memref<163840x128xf32, #tpu.memory_space<hbm>> -> memref<128x128xf32, #tpu.memory_space<hbm>>
        tpu.enqueue_dma source(%arg9 : memref<128x128xf32, #tpu.memory_space<vmem>>) target(%dma_start3A_326 : memref<128x128xf32, #tpu.memory_space<hbm>>) target_semaphore(%arg21 : memref<!tpu.dma_semaphore, #tpu.memory_space<semaphore_mem>>)
      } else {
      }
      %eq3A_311 = arith.constant 4 : i32
      %eq3A_312 = arith.cmpi eq, %select_n3A_249, %eq3A_311 : i32
      %convert_element_type3A_313 = arith.extui %eq3A_312 : i1 to i32
      %cond3A_314 = arith.constant 0 : i32
      %cond3A_315 = arith.cmpi ne, %convert_element_type3A_313, %cond3A_314 : i32
      scf.if %cond3A_315 {
        %mul3A_321 = arith.constant 128 : i32
        %mul3A_322 = arith.muli %scan3A_239, %mul3A_321 : i32
        %add3A_323 = arith.addi %mul3A_2, %mul3A_322 : i32
        %dma_start3A = arith.constant 0 : i32
        %dma_start3A_324 = tpu.memref_slice %arg4[%add3A_323, %dma_start3A] : memref<163840x128xf32, #tpu.memory_space<hbm>> -> memref<128x128xf32, #tpu.memory_space<hbm>>
        %dma_start3A_325 = arith.constant 0 : i32
        %dma_start3A_326 = tpu.memref_slice %arg4[%add3A_323, %dma_start3A_325] : memref<163840x128xf32, #tpu.memory_space<hbm>> -> memref<128x128xf32, #tpu.memory_space<hbm>>
        tpu.enqueue_dma source(%arg10 : memref<128x128xf32, #tpu.memory_space<vmem>>) target(%dma_start3A_326 : memref<128x128xf32, #tpu.memory_space<hbm>>) target_semaphore(%arg22 : memref<!tpu.dma_semaphore, #tpu.memory_space<semaphore_mem>>)
      } else {
      }
      %eq3A_316 = arith.constant 5 : i32
      %eq3A_317 = arith.cmpi eq, %select_n3A_249, %eq3A_316 : i32
      %convert_element_type3A_318 = arith.extui %eq3A_317 : i1 to i32
      %cond3A_319 = arith.constant 0 : i32
      %cond3A_320 = arith.cmpi ne, %convert_element_type3A_318, %cond3A_319 : i32
      scf.if %cond3A_320 {
        %mul3A_321 = arith.constant 128 : i32
        %mul3A_322 = arith.muli %scan3A_239, %mul3A_321 : i32
        %add3A_323 = arith.addi %mul3A_2, %mul3A_322 : i32
        %dma_start3A = arith.constant 0 : i32
        %dma_start3A_324 = tpu.memref_slice %arg4[%add3A_323, %dma_start3A] : memref<163840x128xf32, #tpu.memory_space<hbm>> -> memref<128x128xf32, #tpu.memory_space<hbm>>
        %dma_start3A_325 = arith.constant 0 : i32
        %dma_start3A_326 = tpu.memref_slice %arg4[%add3A_323, %dma_start3A_325] : memref<163840x128xf32, #tpu.memory_space<hbm>> -> memref<128x128xf32, #tpu.memory_space<hbm>>
        tpu.enqueue_dma source(%arg11 : memref<128x128xf32, #tpu.memory_space<vmem>>) target(%dma_start3A_326 : memref<128x128xf32, #tpu.memory_space<hbm>>) target_semaphore(%arg23 : memref<!tpu.dma_semaphore, #tpu.memory_space<semaphore_mem>>)
      } else {
      }
    }
    %scan3A_130 = arith.constant 40 : i32
    %eq3A_131 = arith.constant 1 : i32
    %eq3A_132 = arith.constant 0 : i32
    %eq3A_133 = arith.cmpi eq, %eq3A_131, %eq3A_132 : i32
    %convert_element_type3A_134 = arith.extui %eq3A_133 : i1 to i32
    %cond3A_135 = arith.constant 0 : i32
    %cond3A_136 = arith.cmpi ne, %convert_element_type3A_134, %cond3A_135 : i32
    scf.if %cond3A_136 {
      %dma_wait3A = arith.constant 0 : i32
      %dma_wait3A_239 = arith.constant 0 : i32
      %dma_wait3A_240 = tpu.memref_slice %arg2[%dma_wait3A, %dma_wait3A_239] : memref<10000x128xf32, #tpu.memory_space<hbm>> -> memref<128x128xf32, #tpu.memory_space<hbm>>
      %dma_wait3A_241 = arith.constant 0 : i32
      %dma_wait3A_242 = arith.constant 0 : i32
      %dma_wait3A_243 = tpu.memref_slice %arg2[%dma_wait3A_241, %dma_wait3A_242] : memref<10000x128xf32, #tpu.memory_space<hbm>> -> memref<128x128xf32, #tpu.memory_space<hbm>>
      tpu.wait_dma2 semaphore(%arg18 : memref<!tpu.dma_semaphore, #tpu.memory_space<semaphore_mem>>) src(%dma_wait3A_243 : memref<128x128xf32, #tpu.memory_space<hbm>>) dst(%arg6 : memref<128x128xf32, #tpu.memory_space<vmem>>)
    } else {
    }
    %eq3A_137 = arith.constant 1 : i32
    %eq3A_138 = arith.constant 1 : i32
    %eq3A_139 = arith.cmpi eq, %eq3A_137, %eq3A_138 : i32
    %convert_element_type3A_140 = arith.extui %eq3A_139 : i1 to i32
    %cond3A_141 = arith.constant 0 : i32
    %cond3A_142 = arith.cmpi ne, %convert_element_type3A_140, %cond3A_141 : i32
    scf.if %cond3A_142 {
      %dma_wait3A = arith.constant 0 : i32
      %dma_wait3A_239 = arith.constant 0 : i32
      %dma_wait3A_240 = tpu.memref_slice %arg2[%dma_wait3A, %dma_wait3A_239] : memref<10000x128xf32, #tpu.memory_space<hbm>> -> memref<128x128xf32, #tpu.memory_space<hbm>>
      %dma_wait3A_241 = arith.constant 0 : i32
      %dma_wait3A_242 = arith.constant 0 : i32
      %dma_wait3A_243 = tpu.memref_slice %arg2[%dma_wait3A_241, %dma_wait3A_242] : memref<10000x128xf32, #tpu.memory_space<hbm>> -> memref<128x128xf32, #tpu.memory_space<hbm>>
      tpu.wait_dma2 semaphore(%arg19 : memref<!tpu.dma_semaphore, #tpu.memory_space<semaphore_mem>>) src(%dma_wait3A_243 : memref<128x128xf32, #tpu.memory_space<hbm>>) dst(%arg7 : memref<128x128xf32, #tpu.memory_space<vmem>>)
    } else {
    }
    %eq3A_143 = arith.constant 1 : i32
    %eq3A_144 = arith.constant 2 : i32
    %eq3A_145 = arith.cmpi eq, %eq3A_143, %eq3A_144 : i32
    %convert_element_type3A_146 = arith.extui %eq3A_145 : i1 to i32
    %cond3A_147 = arith.constant 0 : i32
    %cond3A_148 = arith.cmpi ne, %convert_element_type3A_146, %cond3A_147 : i32
    scf.if %cond3A_148 {
      %dma_wait3A = arith.constant 0 : i32
      %dma_wait3A_239 = arith.constant 0 : i32
      %dma_wait3A_240 = tpu.memref_slice %arg2[%dma_wait3A, %dma_wait3A_239] : memref<10000x128xf32, #tpu.memory_space<hbm>> -> memref<128x128xf32, #tpu.memory_space<hbm>>
      %dma_wait3A_241 = arith.constant 0 : i32
      %dma_wait3A_242 = arith.constant 0 : i32
      %dma_wait3A_243 = tpu.memref_slice %arg2[%dma_wait3A_241, %dma_wait3A_242] : memref<10000x128xf32, #tpu.memory_space<hbm>> -> memref<128x128xf32, #tpu.memory_space<hbm>>
      tpu.wait_dma2 semaphore(%arg20 : memref<!tpu.dma_semaphore, #tpu.memory_space<semaphore_mem>>) src(%dma_wait3A_243 : memref<128x128xf32, #tpu.memory_space<hbm>>) dst(%arg8 : memref<128x128xf32, #tpu.memory_space<vmem>>)
    } else {
    }
    %eq3A_149 = arith.constant 1 : i32
    %eq3A_150 = arith.constant 3 : i32
    %eq3A_151 = arith.cmpi eq, %eq3A_149, %eq3A_150 : i32
    %convert_element_type3A_152 = arith.extui %eq3A_151 : i1 to i32
    %cond3A_153 = arith.constant 0 : i32
    %cond3A_154 = arith.cmpi ne, %convert_element_type3A_152, %cond3A_153 : i32
    scf.if %cond3A_154 {
      %dma_wait3A = arith.constant 0 : i32
      %dma_wait3A_239 = arith.constant 0 : i32
      %dma_wait3A_240 = tpu.memref_slice %arg2[%dma_wait3A, %dma_wait3A_239] : memref<10000x128xf32, #tpu.memory_space<hbm>> -> memref<128x128xf32, #tpu.memory_space<hbm>>
      %dma_wait3A_241 = arith.constant 0 : i32
      %dma_wait3A_242 = arith.constant 0 : i32
      %dma_wait3A_243 = tpu.memref_slice %arg2[%dma_wait3A_241, %dma_wait3A_242] : memref<10000x128xf32, #tpu.memory_space<hbm>> -> memref<128x128xf32, #tpu.memory_space<hbm>>
      tpu.wait_dma2 semaphore(%arg21 : memref<!tpu.dma_semaphore, #tpu.memory_space<semaphore_mem>>) src(%dma_wait3A_243 : memref<128x128xf32, #tpu.memory_space<hbm>>) dst(%arg9 : memref<128x128xf32, #tpu.memory_space<vmem>>)
    } else {
    }
    %eq3A_155 = arith.constant 1 : i32
    %eq3A_156 = arith.constant 4 : i32
    %eq3A_157 = arith.cmpi eq, %eq3A_155, %eq3A_156 : i32
    %convert_element_type3A_158 = arith.extui %eq3A_157 : i1 to i32
    %cond3A_159 = arith.constant 0 : i32
    %cond3A_160 = arith.cmpi ne, %convert_element_type3A_158, %cond3A_159 : i32
    scf.if %cond3A_160 {
      %dma_wait3A = arith.constant 0 : i32
      %dma_wait3A_239 = arith.constant 0 : i32
      %dma_wait3A_240 = tpu.memref_slice %arg2[%dma_wait3A, %dma_wait3A_239] : memref<10000x128xf32, #tpu.memory_space<hbm>> -> memref<128x128xf32, #tpu.memory_space<hbm>>
      %dma_wait3A_241 = arith.constant 0 : i32
      %dma_wait3A_242 = arith.constant 0 : i32
      %dma_wait3A_243 = tpu.memref_slice %arg2[%dma_wait3A_241, %dma_wait3A_242] : memref<10000x128xf32, #tpu.memory_space<hbm>> -> memref<128x128xf32, #tpu.memory_space<hbm>>
      tpu.wait_dma2 semaphore(%arg22 : memref<!tpu.dma_semaphore, #tpu.memory_space<semaphore_mem>>) src(%dma_wait3A_243 : memref<128x128xf32, #tpu.memory_space<hbm>>) dst(%arg10 : memref<128x128xf32, #tpu.memory_space<vmem>>)
    } else {
    }
    %eq3A_161 = arith.constant 1 : i32
    %eq3A_162 = arith.constant 5 : i32
    %eq3A_163 = arith.cmpi eq, %eq3A_161, %eq3A_162 : i32
    %convert_element_type3A_164 = arith.extui %eq3A_163 : i1 to i32
    %cond3A_165 = arith.constant 0 : i32
    %cond3A_166 = arith.cmpi ne, %convert_element_type3A_164, %cond3A_165 : i32
    scf.if %cond3A_166 {
      %dma_wait3A = arith.constant 0 : i32
      %dma_wait3A_239 = arith.constant 0 : i32
      %dma_wait3A_240 = tpu.memref_slice %arg2[%dma_wait3A, %dma_wait3A_239] : memref<10000x128xf32, #tpu.memory_space<hbm>> -> memref<128x128xf32, #tpu.memory_space<hbm>>
      %dma_wait3A_241 = arith.constant 0 : i32
      %dma_wait3A_242 = arith.constant 0 : i32
      %dma_wait3A_243 = tpu.memref_slice %arg2[%dma_wait3A_241, %dma_wait3A_242] : memref<10000x128xf32, #tpu.memory_space<hbm>> -> memref<128x128xf32, #tpu.memory_space<hbm>>
      tpu.wait_dma2 semaphore(%arg23 : memref<!tpu.dma_semaphore, #tpu.memory_space<semaphore_mem>>) src(%dma_wait3A_243 : memref<128x128xf32, #tpu.memory_space<hbm>>) dst(%arg11 : memref<128x128xf32, #tpu.memory_space<vmem>>)
    } else {
    }
    %eq3A_167 = arith.constant 2 : i32
    %eq3A_168 = arith.constant 0 : i32
    %eq3A_169 = arith.cmpi eq, %eq3A_167, %eq3A_168 : i32
    %convert_element_type3A_170 = arith.extui %eq3A_169 : i1 to i32
    %cond3A_171 = arith.constant 0 : i32
    %cond3A_172 = arith.cmpi ne, %convert_element_type3A_170, %cond3A_171 : i32
    scf.if %cond3A_172 {
      %dma_wait3A = arith.constant 0 : i32
      %dma_wait3A_239 = arith.constant 0 : i32
      %dma_wait3A_240 = tpu.memref_slice %arg2[%dma_wait3A, %dma_wait3A_239] : memref<10000x128xf32, #tpu.memory_space<hbm>> -> memref<128x128xf32, #tpu.memory_space<hbm>>
      %dma_wait3A_241 = arith.constant 0 : i32
      %dma_wait3A_242 = arith.constant 0 : i32
      %dma_wait3A_243 = tpu.memref_slice %arg2[%dma_wait3A_241, %dma_wait3A_242] : memref<10000x128xf32, #tpu.memory_space<hbm>> -> memref<128x128xf32, #tpu.memory_space<hbm>>
      tpu.wait_dma2 semaphore(%arg18 : memref<!tpu.dma_semaphore, #tpu.memory_space<semaphore_mem>>) src(%dma_wait3A_243 : memref<128x128xf32, #tpu.memory_space<hbm>>) dst(%arg6 : memref<128x128xf32, #tpu.memory_space<vmem>>)
    } else {
    }
    %eq3A_173 = arith.constant 2 : i32
    %eq3A_174 = arith.constant 1 : i32
    %eq3A_175 = arith.cmpi eq, %eq3A_173, %eq3A_174 : i32
    %convert_element_type3A_176 = arith.extui %eq3A_175 : i1 to i32
    %cond3A_177 = arith.constant 0 : i32
    %cond3A_178 = arith.cmpi ne, %convert_element_type3A_176, %cond3A_177 : i32
    scf.if %cond3A_178 {
      %dma_wait3A = arith.constant 0 : i32
      %dma_wait3A_239 = arith.constant 0 : i32
      %dma_wait3A_240 = tpu.memref_slice %arg2[%dma_wait3A, %dma_wait3A_239] : memref<10000x128xf32, #tpu.memory_space<hbm>> -> memref<128x128xf32, #tpu.memory_space<hbm>>
      %dma_wait3A_241 = arith.constant 0 : i32
      %dma_wait3A_242 = arith.constant 0 : i32
      %dma_wait3A_243 = tpu.memref_slice %arg2[%dma_wait3A_241, %dma_wait3A_242] : memref<10000x128xf32, #tpu.memory_space<hbm>> -> memref<128x128xf32, #tpu.memory_space<hbm>>
      tpu.wait_dma2 semaphore(%arg19 : memref<!tpu.dma_semaphore, #tpu.memory_space<semaphore_mem>>) src(%dma_wait3A_243 : memref<128x128xf32, #tpu.memory_space<hbm>>) dst(%arg7 : memref<128x128xf32, #tpu.memory_space<vmem>>)
    } else {
    }
    %eq3A_179 = arith.constant 2 : i32
    %eq3A_180 = arith.constant 2 : i32
    %eq3A_181 = arith.cmpi eq, %eq3A_179, %eq3A_180 : i32
    %convert_element_type3A_182 = arith.extui %eq3A_181 : i1 to i32
    %cond3A_183 = arith.constant 0 : i32
    %cond3A_184 = arith.cmpi ne, %convert_element_type3A_182, %cond3A_183 : i32
    scf.if %cond3A_184 {
      %dma_wait3A = arith.constant 0 : i32
      %dma_wait3A_239 = arith.constant 0 : i32
      %dma_wait3A_240 = tpu.memref_slice %arg2[%dma_wait3A, %dma_wait3A_239] : memref<10000x128xf32, #tpu.memory_space<hbm>> -> memref<128x128xf32, #tpu.memory_space<hbm>>
      %dma_wait3A_241 = arith.constant 0 : i32
      %dma_wait3A_242 = arith.constant 0 : i32
      %dma_wait3A_243 = tpu.memref_slice %arg2[%dma_wait3A_241, %dma_wait3A_242] : memref<10000x128xf32, #tpu.memory_space<hbm>> -> memref<128x128xf32, #tpu.memory_space<hbm>>
      tpu.wait_dma2 semaphore(%arg20 : memref<!tpu.dma_semaphore, #tpu.memory_space<semaphore_mem>>) src(%dma_wait3A_243 : memref<128x128xf32, #tpu.memory_space<hbm>>) dst(%arg8 : memref<128x128xf32, #tpu.memory_space<vmem>>)
    } else {
    }
    %eq3A_185 = arith.constant 2 : i32
    %eq3A_186 = arith.constant 3 : i32
    %eq3A_187 = arith.cmpi eq, %eq3A_185, %eq3A_186 : i32
    %convert_element_type3A_188 = arith.extui %eq3A_187 : i1 to i32
    %cond3A_189 = arith.constant 0 : i32
    %cond3A_190 = arith.cmpi ne, %convert_element_type3A_188, %cond3A_189 : i32
    scf.if %cond3A_190 {
      %dma_wait3A = arith.constant 0 : i32
      %dma_wait3A_239 = arith.constant 0 : i32
      %dma_wait3A_240 = tpu.memref_slice %arg2[%dma_wait3A, %dma_wait3A_239] : memref<10000x128xf32, #tpu.memory_space<hbm>> -> memref<128x128xf32, #tpu.memory_space<hbm>>
      %dma_wait3A_241 = arith.constant 0 : i32
      %dma_wait3A_242 = arith.constant 0 : i32
      %dma_wait3A_243 = tpu.memref_slice %arg2[%dma_wait3A_241, %dma_wait3A_242] : memref<10000x128xf32, #tpu.memory_space<hbm>> -> memref<128x128xf32, #tpu.memory_space<hbm>>
      tpu.wait_dma2 semaphore(%arg21 : memref<!tpu.dma_semaphore, #tpu.memory_space<semaphore_mem>>) src(%dma_wait3A_243 : memref<128x128xf32, #tpu.memory_space<hbm>>) dst(%arg9 : memref<128x128xf32, #tpu.memory_space<vmem>>)
    } else {
    }
    %eq3A_191 = arith.constant 2 : i32
    %eq3A_192 = arith.constant 4 : i32
    %eq3A_193 = arith.cmpi eq, %eq3A_191, %eq3A_192 : i32
    %convert_element_type3A_194 = arith.extui %eq3A_193 : i1 to i32
    %cond3A_195 = arith.constant 0 : i32
    %cond3A_196 = arith.cmpi ne, %convert_element_type3A_194, %cond3A_195 : i32
    scf.if %cond3A_196 {
      %dma_wait3A = arith.constant 0 : i32
      %dma_wait3A_239 = arith.constant 0 : i32
      %dma_wait3A_240 = tpu.memref_slice %arg2[%dma_wait3A, %dma_wait3A_239] : memref<10000x128xf32, #tpu.memory_space<hbm>> -> memref<128x128xf32, #tpu.memory_space<hbm>>
      %dma_wait3A_241 = arith.constant 0 : i32
      %dma_wait3A_242 = arith.constant 0 : i32
      %dma_wait3A_243 = tpu.memref_slice %arg2[%dma_wait3A_241, %dma_wait3A_242] : memref<10000x128xf32, #tpu.memory_space<hbm>> -> memref<128x128xf32, #tpu.memory_space<hbm>>
      tpu.wait_dma2 semaphore(%arg22 : memref<!tpu.dma_semaphore, #tpu.memory_space<semaphore_mem>>) src(%dma_wait3A_243 : memref<128x128xf32, #tpu.memory_space<hbm>>) dst(%arg10 : memref<128x128xf32, #tpu.memory_space<vmem>>)
    } else {
    }
    %eq3A_197 = arith.constant 2 : i32
    %eq3A_198 = arith.constant 5 : i32
    %eq3A_199 = arith.cmpi eq, %eq3A_197, %eq3A_198 : i32
    %convert_element_type3A_200 = arith.extui %eq3A_199 : i1 to i32
    %cond3A_201 = arith.constant 0 : i32
    %cond3A_202 = arith.cmpi ne, %convert_element_type3A_200, %cond3A_201 : i32
    scf.if %cond3A_202 {
      %dma_wait3A = arith.constant 0 : i32
      %dma_wait3A_239 = arith.constant 0 : i32
      %dma_wait3A_240 = tpu.memref_slice %arg2[%dma_wait3A, %dma_wait3A_239] : memref<10000x128xf32, #tpu.memory_space<hbm>> -> memref<128x128xf32, #tpu.memory_space<hbm>>
      %dma_wait3A_241 = arith.constant 0 : i32
      %dma_wait3A_242 = arith.constant 0 : i32
      %dma_wait3A_243 = tpu.memref_slice %arg2[%dma_wait3A_241, %dma_wait3A_242] : memref<10000x128xf32, #tpu.memory_space<hbm>> -> memref<128x128xf32, #tpu.memory_space<hbm>>
      tpu.wait_dma2 semaphore(%arg23 : memref<!tpu.dma_semaphore, #tpu.memory_space<semaphore_mem>>) src(%dma_wait3A_243 : memref<128x128xf32, #tpu.memory_space<hbm>>) dst(%arg11 : memref<128x128xf32, #tpu.memory_space<vmem>>)
    } else {
    }
    %eq3A_203 = arith.constant 3 : i32
    %eq3A_204 = arith.constant 0 : i32
    %eq3A_205 = arith.cmpi eq, %eq3A_203, %eq3A_204 : i32
    %convert_element_type3A_206 = arith.extui %eq3A_205 : i1 to i32
    %cond3A_207 = arith.constant 0 : i32
    %cond3A_208 = arith.cmpi ne, %convert_element_type3A_206, %cond3A_207 : i32
    scf.if %cond3A_208 {
      %dma_wait3A = arith.constant 0 : i32
      %dma_wait3A_239 = arith.constant 0 : i32
      %dma_wait3A_240 = tpu.memref_slice %arg2[%dma_wait3A, %dma_wait3A_239] : memref<10000x128xf32, #tpu.memory_space<hbm>> -> memref<128x128xf32, #tpu.memory_space<hbm>>
      %dma_wait3A_241 = arith.constant 0 : i32
      %dma_wait3A_242 = arith.constant 0 : i32
      %dma_wait3A_243 = tpu.memref_slice %arg2[%dma_wait3A_241, %dma_wait3A_242] : memref<10000x128xf32, #tpu.memory_space<hbm>> -> memref<128x128xf32, #tpu.memory_space<hbm>>
      tpu.wait_dma2 semaphore(%arg18 : memref<!tpu.dma_semaphore, #tpu.memory_space<semaphore_mem>>) src(%dma_wait3A_243 : memref<128x128xf32, #tpu.memory_space<hbm>>) dst(%arg6 : memref<128x128xf32, #tpu.memory_space<vmem>>)
    } else {
    }
    %eq3A_209 = arith.constant 3 : i32
    %eq3A_210 = arith.constant 1 : i32
    %eq3A_211 = arith.cmpi eq, %eq3A_209, %eq3A_210 : i32
    %convert_element_type3A_212 = arith.extui %eq3A_211 : i1 to i32
    %cond3A_213 = arith.constant 0 : i32
    %cond3A_214 = arith.cmpi ne, %convert_element_type3A_212, %cond3A_213 : i32
    scf.if %cond3A_214 {
      %dma_wait3A = arith.constant 0 : i32
      %dma_wait3A_239 = arith.constant 0 : i32
      %dma_wait3A_240 = tpu.memref_slice %arg2[%dma_wait3A, %dma_wait3A_239] : memref<10000x128xf32, #tpu.memory_space<hbm>> -> memref<128x128xf32, #tpu.memory_space<hbm>>
      %dma_wait3A_241 = arith.constant 0 : i32
      %dma_wait3A_242 = arith.constant 0 : i32
      %dma_wait3A_243 = tpu.memref_slice %arg2[%dma_wait3A_241, %dma_wait3A_242] : memref<10000x128xf32, #tpu.memory_space<hbm>> -> memref<128x128xf32, #tpu.memory_space<hbm>>
      tpu.wait_dma2 semaphore(%arg19 : memref<!tpu.dma_semaphore, #tpu.memory_space<semaphore_mem>>) src(%dma_wait3A_243 : memref<128x128xf32, #tpu.memory_space<hbm>>) dst(%arg7 : memref<128x128xf32, #tpu.memory_space<vmem>>)
    } else {
    }
    %eq3A_215 = arith.constant 3 : i32
    %eq3A_216 = arith.constant 2 : i32
    %eq3A_217 = arith.cmpi eq, %eq3A_215, %eq3A_216 : i32
    %convert_element_type3A_218 = arith.extui %eq3A_217 : i1 to i32
    %cond3A_219 = arith.constant 0 : i32
    %cond3A_220 = arith.cmpi ne, %convert_element_type3A_218, %cond3A_219 : i32
    scf.if %cond3A_220 {
      %dma_wait3A = arith.constant 0 : i32
      %dma_wait3A_239 = arith.constant 0 : i32
      %dma_wait3A_240 = tpu.memref_slice %arg2[%dma_wait3A, %dma_wait3A_239] : memref<10000x128xf32, #tpu.memory_space<hbm>> -> memref<128x128xf32, #tpu.memory_space<hbm>>
      %dma_wait3A_241 = arith.constant 0 : i32
      %dma_wait3A_242 = arith.constant 0 : i32
      %dma_wait3A_243 = tpu.memref_slice %arg2[%dma_wait3A_241, %dma_wait3A_242] : memref<10000x128xf32, #tpu.memory_space<hbm>> -> memref<128x128xf32, #tpu.memory_space<hbm>>
      tpu.wait_dma2 semaphore(%arg20 : memref<!tpu.dma_semaphore, #tpu.memory_space<semaphore_mem>>) src(%dma_wait3A_243 : memref<128x128xf32, #tpu.memory_space<hbm>>) dst(%arg8 : memref<128x128xf32, #tpu.memory_space<vmem>>)
    } else {
    }
    %eq3A_221 = arith.constant 3 : i32
    %eq3A_222 = arith.constant 3 : i32
    %eq3A_223 = arith.cmpi eq, %eq3A_221, %eq3A_222 : i32
    %convert_element_type3A_224 = arith.extui %eq3A_223 : i1 to i32
    %cond3A_225 = arith.constant 0 : i32
    %cond3A_226 = arith.cmpi ne, %convert_element_type3A_224, %cond3A_225 : i32
    scf.if %cond3A_226 {
      %dma_wait3A = arith.constant 0 : i32
      %dma_wait3A_239 = arith.constant 0 : i32
      %dma_wait3A_240 = tpu.memref_slice %arg2[%dma_wait3A, %dma_wait3A_239] : memref<10000x128xf32, #tpu.memory_space<hbm>> -> memref<128x128xf32, #tpu.memory_space<hbm>>
      %dma_wait3A_241 = arith.constant 0 : i32
      %dma_wait3A_242 = arith.constant 0 : i32
      %dma_wait3A_243 = tpu.memref_slice %arg2[%dma_wait3A_241, %dma_wait3A_242] : memref<10000x128xf32, #tpu.memory_space<hbm>> -> memref<128x128xf32, #tpu.memory_space<hbm>>
      tpu.wait_dma2 semaphore(%arg21 : memref<!tpu.dma_semaphore, #tpu.memory_space<semaphore_mem>>) src(%dma_wait3A_243 : memref<128x128xf32, #tpu.memory_space<hbm>>) dst(%arg9 : memref<128x128xf32, #tpu.memory_space<vmem>>)
    } else {
    }
    %eq3A_227 = arith.constant 3 : i32
    %eq3A_228 = arith.constant 4 : i32
    %eq3A_229 = arith.cmpi eq, %eq3A_227, %eq3A_228 : i32
    %convert_element_type3A_230 = arith.extui %eq3A_229 : i1 to i32
    %cond3A_231 = arith.constant 0 : i32
    %cond3A_232 = arith.cmpi ne, %convert_element_type3A_230, %cond3A_231 : i32
    scf.if %cond3A_232 {
      %dma_wait3A = arith.constant 0 : i32
      %dma_wait3A_239 = arith.constant 0 : i32
      %dma_wait3A_240 = tpu.memref_slice %arg2[%dma_wait3A, %dma_wait3A_239] : memref<10000x128xf32, #tpu.memory_space<hbm>> -> memref<128x128xf32, #tpu.memory_space<hbm>>
      %dma_wait3A_241 = arith.constant 0 : i32
      %dma_wait3A_242 = arith.constant 0 : i32
      %dma_wait3A_243 = tpu.memref_slice %arg2[%dma_wait3A_241, %dma_wait3A_242] : memref<10000x128xf32, #tpu.memory_space<hbm>> -> memref<128x128xf32, #tpu.memory_space<hbm>>
      tpu.wait_dma2 semaphore(%arg22 : memref<!tpu.dma_semaphore, #tpu.memory_space<semaphore_mem>>) src(%dma_wait3A_243 : memref<128x128xf32, #tpu.memory_space<hbm>>) dst(%arg10 : memref<128x128xf32, #tpu.memory_space<vmem>>)
    } else {
    }
    %eq3A_233 = arith.constant 3 : i32
    %eq3A_234 = arith.constant 5 : i32
    %eq3A_235 = arith.cmpi eq, %eq3A_233, %eq3A_234 : i32
    %convert_element_type3A_236 = arith.extui %eq3A_235 : i1 to i32
    %cond3A_237 = arith.constant 0 : i32
    %cond3A_238 = arith.cmpi ne, %convert_element_type3A_236, %cond3A_237 : i32
    scf.if %cond3A_238 {
      %dma_wait3A = arith.constant 0 : i32
      %dma_wait3A_239 = arith.constant 0 : i32
      %dma_wait3A_240 = tpu.memref_slice %arg2[%dma_wait3A, %dma_wait3A_239] : memref<10000x128xf32, #tpu.memory_space<hbm>> -> memref<128x128xf32, #tpu.memory_space<hbm>>
      %dma_wait3A_241 = arith.constant 0 : i32
      %dma_wait3A_242 = arith.constant 0 : i32
      %dma_wait3A_243 = tpu.memref_slice %arg2[%dma_wait3A_241, %dma_wait3A_242] : memref<10000x128xf32, #tpu.memory_space<hbm>> -> memref<128x128xf32, #tpu.memory_space<hbm>>
      tpu.wait_dma2 semaphore(%arg23 : memref<!tpu.dma_semaphore, #tpu.memory_space<semaphore_mem>>) src(%dma_wait3A_243 : memref<128x128xf32, #tpu.memory_space<hbm>>) dst(%arg11 : memref<128x128xf32, #tpu.memory_space<vmem>>)
    } else {
    }
    return
  }
}

#map = affine_map<(d0, d1) -> (0, 0)>
#map1 = affine_map<(d0, d1) -> (0, 0, 0)>
module attributes {stable_mosaic.version = 14 : i64} {
  func.func @k(%arg0: i32, %arg1: i32, %arg2: memref<12288x128xf32, #tpu.memory_space<hbm>>, %arg3: memref<32x3x128xi32, #tpu.memory_space<hbm>>, %arg4: memref<12288x128xf32, #tpu.memory_space<hbm>>, %arg5: memref<3x128xi32, #tpu.memory_space<vmem>>, %arg6: memref<128x128xf32, #tpu.memory_space<vmem>>, %arg7: memref<!tpu.dma_semaphore, #tpu.memory_space<semaphore_mem>>) attributes {dimension_semantics = [#tpu.dimension_semantics<core_parallel>, #tpu.dimension_semantics<subcore_parallel>], iteration_bounds = array<i64: 2, 16>, scalar_prefetch = 0 : i64, scratch_operands = 3 : i64, tpu.core_type = #tpu.core_type<sc_vector_subcore>, window_params = [{transform_indices = #map}, {transform_indices = #map1}, {transform_indices = #map}]} {
    %mul3A = arith.constant 2 : i32
    %mul3A_0 = arith.muli %arg1, %mul3A : i32
    %add3A = arith.addi %mul3A_0, %arg0 : i32
    "tpu.region"() ({
      %run_scoped3A = tpu.sem_alloc : memref<!tpu.dma_semaphore, #tpu.memory_space<semaphore_mem>>
      %dma_start3A_53 = arith.constant 0 : i32
      %dma_start3A_54 = arith.constant 0 : i32
      %dma_start3A_55 = tpu.memref_slice %arg3[%add3A, %dma_start3A_53, %dma_start3A_54] : memref<32x3x128xi32, #tpu.memory_space<hbm>> -> memref<1x3x128xi32, #tpu.memory_space<hbm>>
      %dma_start3A_56 = tpu.memref_squeeze %dma_start3A_55 : memref<1x3x128xi32, #tpu.memory_space<hbm>> -> memref<3x128xi32, #tpu.memory_space<hbm>>
      %dma_start3A_57 = arith.constant 0 : i32
      %dma_start3A_58 = arith.constant 0 : i32
      %dma_start3A_59 = tpu.memref_slice %arg3[%add3A, %dma_start3A_57, %dma_start3A_58] : memref<32x3x128xi32, #tpu.memory_space<hbm>> -> memref<1x3x128xi32, #tpu.memory_space<hbm>>
      %dma_start3A_60 = tpu.memref_squeeze %dma_start3A_59 : memref<1x3x128xi32, #tpu.memory_space<hbm>> -> memref<3x128xi32, #tpu.memory_space<hbm>>
      tpu.enqueue_dma source(%dma_start3A_60 : memref<3x128xi32, #tpu.memory_space<hbm>>) target(%arg5 : memref<3x128xi32, #tpu.memory_space<vmem>>) target_semaphore(%run_scoped3A : memref<!tpu.dma_semaphore, #tpu.memory_space<semaphore_mem>>)
      %dma_wait3A_61 = arith.constant 0 : i32
      %dma_wait3A_62 = arith.constant 0 : i32
      %dma_wait3A_63 = tpu.memref_slice %arg3[%add3A, %dma_wait3A_61, %dma_wait3A_62] : memref<32x3x128xi32, #tpu.memory_space<hbm>> -> memref<1x3x128xi32, #tpu.memory_space<hbm>>
      %dma_wait3A_64 = tpu.memref_squeeze %dma_wait3A_63 : memref<1x3x128xi32, #tpu.memory_space<hbm>> -> memref<3x128xi32, #tpu.memory_space<hbm>>
      %dma_wait3A_65 = arith.constant 0 : i32
      %dma_wait3A_66 = arith.constant 0 : i32
      %dma_wait3A_67 = tpu.memref_slice %arg3[%add3A, %dma_wait3A_65, %dma_wait3A_66] : memref<32x3x128xi32, #tpu.memory_space<hbm>> -> memref<1x3x128xi32, #tpu.memory_space<hbm>>
      %dma_wait3A_68 = tpu.memref_squeeze %dma_wait3A_67 : memref<1x3x128xi32, #tpu.memory_space<hbm>> -> memref<3x128xi32, #tpu.memory_space<hbm>>
      tpu.wait_dma2 semaphore(%run_scoped3A : memref<!tpu.dma_semaphore, #tpu.memory_space<semaphore_mem>>) src(%dma_wait3A_68 : memref<3x128xi32, #tpu.memory_space<hbm>>) dst(%arg5 : memref<3x128xi32, #tpu.memory_space<vmem>>)
      tpu.yield
    }) : () -> ()
    %mul3A_1 = arith.constant 384 : i32
    %mul3A_2 = arith.muli %add3A, %mul3A_1 : i32
    %add3A_3 = arith.constant 0 : i32
    %add3A_4 = arith.addi %mul3A_2, %add3A_3 : i32
    "tpu.region"() ({
      %run_scoped3A = tpu.sem_alloc : memref<!tpu.dma_semaphore, #tpu.memory_space<semaphore_mem>>
      %dma_start3A_53 = arith.constant 0 : i32
      %dma_start3A_54 = tpu.memref_slice %arg2[%add3A_4, %dma_start3A_53] : memref<12288x128xf32, #tpu.memory_space<hbm>> -> memref<128x128xf32, #tpu.memory_space<hbm>>
      %dma_start3A_55 = arith.constant 0 : i32
      %dma_start3A_56 = tpu.memref_slice %arg2[%add3A_4, %dma_start3A_55] : memref<12288x128xf32, #tpu.memory_space<hbm>> -> memref<128x128xf32, #tpu.memory_space<hbm>>
      tpu.enqueue_dma source(%dma_start3A_56 : memref<128x128xf32, #tpu.memory_space<hbm>>) target(%arg6 : memref<128x128xf32, #tpu.memory_space<vmem>>) target_semaphore(%run_scoped3A : memref<!tpu.dma_semaphore, #tpu.memory_space<semaphore_mem>>)
      %dma_wait3A_57 = arith.constant 0 : i32
      %dma_wait3A_58 = tpu.memref_slice %arg2[%add3A_4, %dma_wait3A_57] : memref<12288x128xf32, #tpu.memory_space<hbm>> -> memref<128x128xf32, #tpu.memory_space<hbm>>
      %dma_wait3A_59 = arith.constant 0 : i32
      %dma_wait3A_60 = tpu.memref_slice %arg2[%add3A_4, %dma_wait3A_59] : memref<12288x128xf32, #tpu.memory_space<hbm>> -> memref<128x128xf32, #tpu.memory_space<hbm>>
      tpu.wait_dma2 semaphore(%run_scoped3A : memref<!tpu.dma_semaphore, #tpu.memory_space<semaphore_mem>>) src(%dma_wait3A_60 : memref<128x128xf32, #tpu.memory_space<hbm>>) dst(%arg6 : memref<128x128xf32, #tpu.memory_space<vmem>>)
      tpu.yield
    }) : () -> ()
    %dma_start3A = arith.constant 0 : i32
    %dma_start3A_5 = arith.constant 0 : i32
    %dma_start3A_6 = tpu.memref_slice %arg5[%dma_start3A, %dma_start3A_5] : memref<3x128xi32, #tpu.memory_space<vmem>> -> memref<1x128xi32, #tpu.memory_space<vmem>>
    %dma_start3A_7 = tpu.memref_squeeze %dma_start3A_6 : memref<1x128xi32, #tpu.memory_space<vmem>> -> memref<128xi32, #tpu.memory_space<vmem>>
    %dma_start3A_8 = arith.constant 0 : i32
    %dma_start3A_9 = arith.constant 0 : i32
    %dma_start3A_10 = tpu.memref_slice %arg4[%dma_start3A_8, %dma_start3A_9] : memref<12288x128xf32, #tpu.memory_space<hbm>> -> memref<12288x128xf32, #tpu.memory_space<hbm>>
    tpu.enqueue_indirect_dma source(%arg6 : memref<128x128xf32, #tpu.memory_space<vmem>>) target(%dma_start3A_10 : memref<12288x128xf32, #tpu.memory_space<hbm>>) offsets(%dma_start3A_7 : memref<128xi32, #tpu.memory_space<vmem>>) semaphore(%arg7 : memref<!tpu.dma_semaphore, #tpu.memory_space<semaphore_mem>>)
    %dma_wait3A = arith.constant 0 : i32
    %dma_wait3A_11 = arith.constant 0 : i32
    %dma_wait3A_12 = tpu.memref_slice %arg5[%dma_wait3A, %dma_wait3A_11] : memref<3x128xi32, #tpu.memory_space<vmem>> -> memref<1x128xi32, #tpu.memory_space<vmem>>
    %dma_wait3A_13 = tpu.memref_squeeze %dma_wait3A_12 : memref<1x128xi32, #tpu.memory_space<vmem>> -> memref<128xi32, #tpu.memory_space<vmem>>
    %dma_wait3A_14 = arith.constant 0 : i32
    %dma_wait3A_15 = arith.constant 0 : i32
    %dma_wait3A_16 = tpu.memref_slice %arg4[%dma_wait3A_14, %dma_wait3A_15] : memref<12288x128xf32, #tpu.memory_space<hbm>> -> memref<12288x128xf32, #tpu.memory_space<hbm>>
    tpu.wait_indirect_dma semaphore(%arg7 : memref<!tpu.dma_semaphore, #tpu.memory_space<semaphore_mem>>) src(%arg6 : memref<128x128xf32, #tpu.memory_space<vmem>>) dst(%dma_wait3A_16 : memref<12288x128xf32, #tpu.memory_space<hbm>>)
    %mul3A_17 = arith.constant 384 : i32
    %mul3A_18 = arith.muli %add3A, %mul3A_17 : i32
    %add3A_19 = arith.constant 128 : i32
    %add3A_20 = arith.addi %mul3A_18, %add3A_19 : i32
    "tpu.region"() ({
      %run_scoped3A = tpu.sem_alloc : memref<!tpu.dma_semaphore, #tpu.memory_space<semaphore_mem>>
      %dma_start3A_53 = arith.constant 0 : i32
      %dma_start3A_54 = tpu.memref_slice %arg2[%add3A_20, %dma_start3A_53] : memref<12288x128xf32, #tpu.memory_space<hbm>> -> memref<128x128xf32, #tpu.memory_space<hbm>>
      %dma_start3A_55 = arith.constant 0 : i32
      %dma_start3A_56 = tpu.memref_slice %arg2[%add3A_20, %dma_start3A_55] : memref<12288x128xf32, #tpu.memory_space<hbm>> -> memref<128x128xf32, #tpu.memory_space<hbm>>
      tpu.enqueue_dma source(%dma_start3A_56 : memref<128x128xf32, #tpu.memory_space<hbm>>) target(%arg6 : memref<128x128xf32, #tpu.memory_space<vmem>>) target_semaphore(%run_scoped3A : memref<!tpu.dma_semaphore, #tpu.memory_space<semaphore_mem>>)
      %dma_wait3A_57 = arith.constant 0 : i32
      %dma_wait3A_58 = tpu.memref_slice %arg2[%add3A_20, %dma_wait3A_57] : memref<12288x128xf32, #tpu.memory_space<hbm>> -> memref<128x128xf32, #tpu.memory_space<hbm>>
      %dma_wait3A_59 = arith.constant 0 : i32
      %dma_wait3A_60 = tpu.memref_slice %arg2[%add3A_20, %dma_wait3A_59] : memref<12288x128xf32, #tpu.memory_space<hbm>> -> memref<128x128xf32, #tpu.memory_space<hbm>>
      tpu.wait_dma2 semaphore(%run_scoped3A : memref<!tpu.dma_semaphore, #tpu.memory_space<semaphore_mem>>) src(%dma_wait3A_60 : memref<128x128xf32, #tpu.memory_space<hbm>>) dst(%arg6 : memref<128x128xf32, #tpu.memory_space<vmem>>)
      tpu.yield
    }) : () -> ()
    %dma_start3A_21 = arith.constant 1 : i32
    %dma_start3A_22 = arith.constant 0 : i32
    %dma_start3A_23 = tpu.memref_slice %arg5[%dma_start3A_21, %dma_start3A_22] : memref<3x128xi32, #tpu.memory_space<vmem>> -> memref<1x128xi32, #tpu.memory_space<vmem>>
    %dma_start3A_24 = tpu.memref_squeeze %dma_start3A_23 : memref<1x128xi32, #tpu.memory_space<vmem>> -> memref<128xi32, #tpu.memory_space<vmem>>
    %dma_start3A_25 = arith.constant 0 : i32
    %dma_start3A_26 = arith.constant 0 : i32
    %dma_start3A_27 = tpu.memref_slice %arg4[%dma_start3A_25, %dma_start3A_26] : memref<12288x128xf32, #tpu.memory_space<hbm>> -> memref<12288x128xf32, #tpu.memory_space<hbm>>
    tpu.enqueue_indirect_dma source(%arg6 : memref<128x128xf32, #tpu.memory_space<vmem>>) target(%dma_start3A_27 : memref<12288x128xf32, #tpu.memory_space<hbm>>) offsets(%dma_start3A_24 : memref<128xi32, #tpu.memory_space<vmem>>) semaphore(%arg7 : memref<!tpu.dma_semaphore, #tpu.memory_space<semaphore_mem>>)
    %dma_wait3A_28 = arith.constant 1 : i32
    %dma_wait3A_29 = arith.constant 0 : i32
    %dma_wait3A_30 = tpu.memref_slice %arg5[%dma_wait3A_28, %dma_wait3A_29] : memref<3x128xi32, #tpu.memory_space<vmem>> -> memref<1x128xi32, #tpu.memory_space<vmem>>
    %dma_wait3A_31 = tpu.memref_squeeze %dma_wait3A_30 : memref<1x128xi32, #tpu.memory_space<vmem>> -> memref<128xi32, #tpu.memory_space<vmem>>
    %dma_wait3A_32 = arith.constant 0 : i32
    %dma_wait3A_33 = arith.constant 0 : i32
    %dma_wait3A_34 = tpu.memref_slice %arg4[%dma_wait3A_32, %dma_wait3A_33] : memref<12288x128xf32, #tpu.memory_space<hbm>> -> memref<12288x128xf32, #tpu.memory_space<hbm>>
    tpu.wait_indirect_dma semaphore(%arg7 : memref<!tpu.dma_semaphore, #tpu.memory_space<semaphore_mem>>) src(%arg6 : memref<128x128xf32, #tpu.memory_space<vmem>>) dst(%dma_wait3A_34 : memref<12288x128xf32, #tpu.memory_space<hbm>>)
    %mul3A_35 = arith.constant 384 : i32
    %mul3A_36 = arith.muli %add3A, %mul3A_35 : i32
    %add3A_37 = arith.constant 256 : i32
    %add3A_38 = arith.addi %mul3A_36, %add3A_37 : i32
    "tpu.region"() ({
      %run_scoped3A = tpu.sem_alloc : memref<!tpu.dma_semaphore, #tpu.memory_space<semaphore_mem>>
      %dma_start3A_53 = arith.constant 0 : i32
      %dma_start3A_54 = tpu.memref_slice %arg2[%add3A_38, %dma_start3A_53] : memref<12288x128xf32, #tpu.memory_space<hbm>> -> memref<128x128xf32, #tpu.memory_space<hbm>>
      %dma_start3A_55 = arith.constant 0 : i32
      %dma_start3A_56 = tpu.memref_slice %arg2[%add3A_38, %dma_start3A_55] : memref<12288x128xf32, #tpu.memory_space<hbm>> -> memref<128x128xf32, #tpu.memory_space<hbm>>
      tpu.enqueue_dma source(%dma_start3A_56 : memref<128x128xf32, #tpu.memory_space<hbm>>) target(%arg6 : memref<128x128xf32, #tpu.memory_space<vmem>>) target_semaphore(%run_scoped3A : memref<!tpu.dma_semaphore, #tpu.memory_space<semaphore_mem>>)
      %dma_wait3A_57 = arith.constant 0 : i32
      %dma_wait3A_58 = tpu.memref_slice %arg2[%add3A_38, %dma_wait3A_57] : memref<12288x128xf32, #tpu.memory_space<hbm>> -> memref<128x128xf32, #tpu.memory_space<hbm>>
      %dma_wait3A_59 = arith.constant 0 : i32
      %dma_wait3A_60 = tpu.memref_slice %arg2[%add3A_38, %dma_wait3A_59] : memref<12288x128xf32, #tpu.memory_space<hbm>> -> memref<128x128xf32, #tpu.memory_space<hbm>>
      tpu.wait_dma2 semaphore(%run_scoped3A : memref<!tpu.dma_semaphore, #tpu.memory_space<semaphore_mem>>) src(%dma_wait3A_60 : memref<128x128xf32, #tpu.memory_space<hbm>>) dst(%arg6 : memref<128x128xf32, #tpu.memory_space<vmem>>)
      tpu.yield
    }) : () -> ()
    %dma_start3A_39 = arith.constant 2 : i32
    %dma_start3A_40 = arith.constant 0 : i32
    %dma_start3A_41 = tpu.memref_slice %arg5[%dma_start3A_39, %dma_start3A_40] : memref<3x128xi32, #tpu.memory_space<vmem>> -> memref<1x128xi32, #tpu.memory_space<vmem>>
    %dma_start3A_42 = tpu.memref_squeeze %dma_start3A_41 : memref<1x128xi32, #tpu.memory_space<vmem>> -> memref<128xi32, #tpu.memory_space<vmem>>
    %dma_start3A_43 = arith.constant 0 : i32
    %dma_start3A_44 = arith.constant 0 : i32
    %dma_start3A_45 = tpu.memref_slice %arg4[%dma_start3A_43, %dma_start3A_44] : memref<12288x128xf32, #tpu.memory_space<hbm>> -> memref<12288x128xf32, #tpu.memory_space<hbm>>
    tpu.enqueue_indirect_dma source(%arg6 : memref<128x128xf32, #tpu.memory_space<vmem>>) target(%dma_start3A_45 : memref<12288x128xf32, #tpu.memory_space<hbm>>) offsets(%dma_start3A_42 : memref<128xi32, #tpu.memory_space<vmem>>) semaphore(%arg7 : memref<!tpu.dma_semaphore, #tpu.memory_space<semaphore_mem>>)
    %dma_wait3A_46 = arith.constant 2 : i32
    %dma_wait3A_47 = arith.constant 0 : i32
    %dma_wait3A_48 = tpu.memref_slice %arg5[%dma_wait3A_46, %dma_wait3A_47] : memref<3x128xi32, #tpu.memory_space<vmem>> -> memref<1x128xi32, #tpu.memory_space<vmem>>
    %dma_wait3A_49 = tpu.memref_squeeze %dma_wait3A_48 : memref<1x128xi32, #tpu.memory_space<vmem>> -> memref<128xi32, #tpu.memory_space<vmem>>
    %dma_wait3A_50 = arith.constant 0 : i32
    %dma_wait3A_51 = arith.constant 0 : i32
    %dma_wait3A_52 = tpu.memref_slice %arg4[%dma_wait3A_50, %dma_wait3A_51] : memref<12288x128xf32, #tpu.memory_space<hbm>> -> memref<12288x128xf32, #tpu.memory_space<hbm>>
    tpu.wait_indirect_dma semaphore(%arg7 : memref<!tpu.dma_semaphore, #tpu.memory_space<semaphore_mem>>) src(%arg6 : memref<128x128xf32, #tpu.memory_space<vmem>>) dst(%dma_wait3A_52 : memref<12288x128xf32, #tpu.memory_space<hbm>>)
    return
  }
}

module attributes {stable_mosaic.version = 14 : i64} {
  func.func @body(%arg0: memref<12288xi32, #tpu.memory_space<smem>>, %arg1: memref<163840x128xf32, #tpu.memory_space<any>>, %arg2: memref<128x512xf32, #tpu.memory_space<vmem>>, %arg3: memref<128x512xf32, #tpu.memory_space<vmem>>, %arg4: memref<1x512xf32, #tpu.memory_space<vmem>>, %arg5: memref<12288x128xf32, #tpu.memory_space<vmem>>, %arg6: memref<12288x128xf32, #tpu.memory_space<vmem>>, %arg7: memref<512x128xf32, #tpu.memory_space<vmem>>, %arg8: memref<512x128xf32, #tpu.memory_space<vmem>>, %arg9: memref<!tpu.dma_semaphore, #tpu.memory_space<semaphore_mem>>, %arg10: memref<!tpu.dma_semaphore, #tpu.memory_space<semaphore_mem>>) attributes {dimension_semantics = [], scalar_prefetch = 0 : i64, scratch_operands = 5 : i64, tpu.core_type = #tpu.core_type<tc>} {
    %broadcast_in_dim3A = arith.constant 0.000000e+00 : f32
    %broadcast_in_dim3A_0 = vector.broadcast %broadcast_in_dim3A : f32 to vector<12288x128xf32>
    %swap3A = arith.constant 0 : index
    %swap3A_1 = arith.constant 0 : index
    %swap3A_2 = vector.load %arg5[%swap3A, %swap3A_1] : memref<12288x128xf32, #tpu.memory_space<vmem>>, vector<12288x128xf32>
    tpu.vector_store %arg5[%swap3A, %swap3A_1], %broadcast_in_dim3A_0 {strides = array<i32>} : memref<12288x128xf32, #tpu.memory_space<vmem>>, vector<12288x128xf32>,
    %broadcast_in_dim3A_3 = arith.constant 0.000000e+00 : f32
    %broadcast_in_dim3A_4 = vector.broadcast %broadcast_in_dim3A_3 : f32 to vector<12288x128xf32>
    %swap3A_5 = arith.constant 0 : index
    %swap3A_6 = arith.constant 0 : index
    %swap3A_7 = vector.load %arg6[%swap3A_5, %swap3A_6] : memref<12288x128xf32, #tpu.memory_space<vmem>>, vector<12288x128xf32>
    tpu.vector_store %arg6[%swap3A_5, %swap3A_6], %broadcast_in_dim3A_4 {strides = array<i32>} : memref<12288x128xf32, #tpu.memory_space<vmem>>, vector<12288x128xf32>,
    %get3A = arith.constant 0 : index
    %get3A_8 = memref.load %arg0[%get3A] : memref<12288xi32, #tpu.memory_space<smem>>
    %eq3A = arith.constant 0 : i32
    %eq3A_9 = arith.constant 0 : i32
    %eq3A_10 = arith.cmpi eq, %eq3A, %eq3A_9 : i32
    %convert_element_type3A = arith.extui %eq3A_10 : i1 to i32
    %cond3A = arith.constant 0 : i32
    %cond3A_11 = arith.constant 0 : i32
    %cond3A_12 = arith.cmpi ne, %convert_element_type3A, %cond3A_11 : i32
    scf.if %cond3A_12 {
      %dma_start3A = arith.constant 0 : i32
      %dma_start3A_43 = tpu.memref_slice %arg1[%cond3A, %dma_start3A] : memref<163840x128xf32, #tpu.memory_space<any>> -> memref<512x128xf32, #tpu.memory_space<any>>
      tpu.enqueue_dma source(%dma_start3A_43 : memref<512x128xf32, #tpu.memory_space<any>>) target(%arg7 : memref<512x128xf32, #tpu.memory_space<vmem>>) target_semaphore(%arg9 : memref<!tpu.dma_semaphore, #tpu.memory_space<semaphore_mem>>)
    } else {
    }
    %ne3A = arith.constant 0 : i32
    %ne3A_13 = arith.constant 0 : i32
    %ne3A_14 = arith.cmpi ne, %ne3A, %ne3A_13 : i32
    %convert_element_type3A_15 = arith.extui %ne3A_14 : i1 to i32
    %cond3A_16 = arith.constant 0 : i32
    %cond3A_17 = arith.constant 0 : i32
    %cond3A_18 = arith.cmpi ne, %convert_element_type3A_15, %cond3A_17 : i32
    scf.if %cond3A_18 {
      %dma_start3A = arith.constant 0 : i32
      %dma_start3A_43 = tpu.memref_slice %arg1[%cond3A_16, %dma_start3A] : memref<163840x128xf32, #tpu.memory_space<any>> -> memref<512x128xf32, #tpu.memory_space<any>>
      tpu.enqueue_dma source(%dma_start3A_43 : memref<512x128xf32, #tpu.memory_space<any>>) target(%arg8 : memref<512x128xf32, #tpu.memory_space<vmem>>) target_semaphore(%arg10 : memref<!tpu.dma_semaphore, #tpu.memory_space<semaphore_mem>>)
    } else {
    }
    %while3A = arith.constant 0 : i32
    %while3A_19 = arith.constant 0 : i32
    %while3A_20 = arith.constant 12288 : i32
    %while3A_21 = arith.constant 0 : i32
    %while3A_22:4 = scf.while (%while3A_43 = %while3A, %while3A_44 = %while3A_19, %while3A_45 = %while3A_20, %while3A_46 = %while3A_21) : (i32, i32, i32, i32) -> (i32, i32, i32, i32) {
      %lt3A_47 = arith.cmpi slt, %while3A_43, %get3A_8 : i32
      scf.condition(%lt3A_47) %while3A_43, %while3A_44, %while3A_45, %while3A_46 : i32, i32, i32, i32
    } do {
    ^bb0(%while3A_43: i32, %while3A_44: i32, %while3A_45: i32, %while3A_46: i32):
      %while3A_47 = scf.while (%while3A_85 = %while3A_45) : (i32) -> i32 {
        %gt3A = arith.constant 0 : i32
        %gt3A_86 = arith.cmpi sgt, %while3A_85, %gt3A : i32
        %sub3A_87 = arith.constant 1 : i32
        %sub3A_88 = arith.subi %while3A_85, %sub3A_87 : i32
        %get3A_89 = arith.index_cast %sub3A_88 : i32 to index
        %get3A_90 = memref.load %arg0[%get3A_89] : memref<12288xi32, #tpu.memory_space<smem>>
        %le3A = arith.cmpi sle, %get3A_90, %while3A_43 : i32
        %and3A_91 = arith.andi %gt3A_86, %le3A : i1
        scf.condition(%and3A_91) %while3A_85 : i32
      } do {
      ^bb0(%while3A_85: i32):
        %sub3A_86 = arith.constant 1 : i32
        %sub3A_87 = arith.subi %while3A_85, %sub3A_86 : i32
        scf.yield %sub3A_87 : i32
      }
      %add3A_48 = arith.constant 511 : i32
      %add3A_49 = arith.addi %while3A_47, %add3A_48 : i32
      %jit3A_50 = arith.constant 512 : i32
      %div3A = arith.divsi %add3A_49, %jit3A_50 : i32
      %sign3A = arith.constant 0 : i32
      %sign3A_51 = arith.cmpi sgt, %add3A_49, %sign3A : i32
      %sign3A_52 = arith.extui %sign3A_51 : i1 to i32
      %sign3A_53 = arith.constant 0 : i32
      %sign3A_54 = arith.cmpi slt, %add3A_49, %sign3A_53 : i32
      %sign3A_55 = arith.extui %sign3A_54 : i1 to i32
      %sign3A_56 = arith.subi %sign3A_52, %sign3A_55 : i32
      %sign3A_57 = arith.constant 0 : i32
      %sign3A_58 = arith.cmpi sgt, %jit3A_50, %sign3A_57 : i32
      %sign3A_59 = arith.extui %sign3A_58 : i1 to i32
      %sign3A_60 = arith.constant 0 : i32
      %sign3A_61 = arith.cmpi slt, %jit3A_50, %sign3A_60 : i32
      %sign3A_62 = arith.extui %sign3A_61 : i1 to i32
      %sign3A_63 = arith.subi %sign3A_59, %sign3A_62 : i32
      %ne3A_64 = arith.cmpi ne, %sign3A_56, %sign3A_63 : i32
      %rem3A_65 = arith.remsi %add3A_49, %jit3A_50 : i32
      %ne3A_66 = arith.constant 0 : i32
      %ne3A_67 = arith.cmpi ne, %rem3A_65, %ne3A_66 : i32
      %and3A_68 = arith.andi %ne3A_64, %ne3A_67 : i1
      %sub3A = arith.constant 1 : i32
      %sub3A_69 = arith.subi %div3A, %sub3A : i32
      %select_n3A_70 = arith.select %and3A_68, %sub3A_69, %div3A : i32
      %while3A_71 = arith.constant 0 : i32
      %while3A_72 = arith.subi %select_n3A_70, %while3A_71 : i32
      %while3A_73 = arith.addi %while3A_71, %while3A_72 : i32
      %while3A_74 = arith.constant 1 : i32
      %while3A_75 = arith.divsi %while3A_72, %while3A_74 : i32
      %while3A_76 = arith.muli %while3A_75, %while3A_74 : i32
      %while3A_77 = arith.addi %while3A_71, %while3A_76 : i32
      %while3A_78 = arith.constant 1 : i32
      %while3A_79 = scf.for %while3A_85 = %while3A_71 to %while3A_77 step %while3A_78 iter_args(%while3A_86 = %while3A_46) -> (i32)  : i32 {
        %mul3A = arith.constant 512 : i32
        %mul3A_87 = arith.muli %while3A_85, %mul3A : i32
        %add3A_88 = arith.constant 1 : i32
        %add3A_89 = arith.addi %while3A_85, %add3A_88 : i32
        %lt3A_90 = arith.cmpi slt, %add3A_89, %select_n3A_70 : i32
        %add3A_91 = arith.addi %while3A_44, %mul3A_87 : i32
        %add3A_92 = arith.constant 512 : i32
        %add3A_93 = arith.addi %add3A_91, %add3A_92 : i32
        %add3A_94 = arith.addi %while3A_44, %while3A_47 : i32
        %select_n3A_95 = arith.select %lt3A_90, %add3A_93, %add3A_94 : i32
        %add3A_96 = arith.constant 1 : i32
        %add3A_97 = arith.addi %while3A_86, %add3A_96 : i32
        %jit3A_98 = arith.constant 2 : i32
        %eq3A_99 = arith.constant 0 : i32
        %eq3A_100 = arith.cmpi eq, %jit3A_98, %eq3A_99 : i32
        %jit3A_101 = arith.constant 1 : i32
        %select_n3A_102 = arith.select %eq3A_100, %jit3A_101, %jit3A_98 : i32
        %rem3A_103 = arith.remsi %add3A_97, %select_n3A_102 : i32
        %ne3A_104 = arith.constant 0 : i32
        %ne3A_105 = arith.cmpi ne, %rem3A_103, %ne3A_104 : i32
        %lt3A_106 = arith.constant 0 : i32
        %lt3A_107 = arith.cmpi slt, %rem3A_103, %lt3A_106 : i32
        %lt3A_108 = arith.constant 0 : i32
        %lt3A_109 = arith.cmpi slt, %select_n3A_102, %lt3A_108 : i32
        %ne3A_110 = arith.xori %lt3A_107, %lt3A_109 : i1
        %and3A_111 = arith.andi %ne3A_110, %ne3A_105 : i1
        %add3A_112 = arith.addi %rem3A_103, %select_n3A_102 : i32
        %select_n3A_113 = arith.select %and3A_111, %add3A_112, %rem3A_103 : i32
        %eq3A_114 = arith.constant 0 : i32
        %eq3A_115 = arith.cmpi eq, %select_n3A_113, %eq3A_114 : i32
        %convert_element_type3A_116 = arith.extui %eq3A_115 : i1 to i32
        %cond3A_117 = arith.constant 0 : i32
        %cond3A_118 = arith.cmpi ne, %convert_element_type3A_116, %cond3A_117 : i32
        scf.if %cond3A_118 {
          %dma_start3A = arith.constant 0 : i32
          %dma_start3A_236 = tpu.memref_slice %arg1[%select_n3A_95, %dma_start3A] : memref<163840x128xf32, #tpu.memory_space<any>> -> memref<512x128xf32, #tpu.memory_space<any>>
          tpu.enqueue_dma source(%dma_start3A_236 : memref<512x128xf32, #tpu.memory_space<any>>) target(%arg7 : memref<512x128xf32, #tpu.memory_space<vmem>>) target_semaphore(%arg9 : memref<!tpu.dma_semaphore, #tpu.memory_space<semaphore_mem>>)
        } else {
        }
        %ne3A_119 = arith.constant 0 : i32
        %ne3A_120 = arith.cmpi ne, %select_n3A_113, %ne3A_119 : i32
        %convert_element_type3A_121 = arith.extui %ne3A_120 : i1 to i32
        %cond3A_122 = arith.constant 0 : i32
        %cond3A_123 = arith.cmpi ne, %convert_element_type3A_121, %cond3A_122 : i32
        scf.if %cond3A_123 {
          %dma_start3A = arith.constant 0 : i32
          %dma_start3A_236 = tpu.memref_slice %arg1[%select_n3A_95, %dma_start3A] : memref<163840x128xf32, #tpu.memory_space<any>> -> memref<512x128xf32, #tpu.memory_space<any>>
          tpu.enqueue_dma source(%dma_start3A_236 : memref<512x128xf32, #tpu.memory_space<any>>) target(%arg8 : memref<512x128xf32, #tpu.memory_space<vmem>>) target_semaphore(%arg10 : memref<!tpu.dma_semaphore, #tpu.memory_space<semaphore_mem>>)
        } else {
        }
        %jit3A_124 = arith.constant 2 : i32
        %eq3A_125 = arith.constant 0 : i32
        %eq3A_126 = arith.cmpi eq, %jit3A_124, %eq3A_125 : i32
        %jit3A_127 = arith.constant 1 : i32
        %select_n3A_128 = arith.select %eq3A_126, %jit3A_127, %jit3A_124 : i32
        %rem3A_129 = arith.remsi %while3A_86, %select_n3A_128 : i32
        %ne3A_130 = arith.constant 0 : i32
        %ne3A_131 = arith.cmpi ne, %rem3A_129, %ne3A_130 : i32
        %lt3A_132 = arith.constant 0 : i32
        %lt3A_133 = arith.cmpi slt, %rem3A_129, %lt3A_132 : i32
        %lt3A_134 = arith.constant 0 : i32
        %lt3A_135 = arith.cmpi slt, %select_n3A_128, %lt3A_134 : i32
        %ne3A_136 = arith.xori %lt3A_133, %lt3A_135 : i1
        %and3A_137 = arith.andi %ne3A_136, %ne3A_131 : i1
        %add3A_138 = arith.addi %rem3A_129, %select_n3A_128 : i32
        %select_n3A_139 = arith.select %and3A_137, %add3A_138, %rem3A_129 : i32
        %eq3A_140 = arith.constant 0 : i32
        %eq3A_141 = arith.cmpi eq, %select_n3A_139, %eq3A_140 : i32
        %convert_element_type3A_142 = arith.extui %eq3A_141 : i1 to i32
        %cond3A_143 = arith.constant 0 : i32
        %cond3A_144 = arith.cmpi ne, %convert_element_type3A_142, %cond3A_143 : i32
        scf.if %cond3A_144 {
          %dma_wait3A = arith.constant 0 : i32
          %dma_wait3A_236 = arith.constant 0 : i32
          %dma_wait3A_237 = tpu.memref_slice %arg1[%dma_wait3A, %dma_wait3A_236] : memref<163840x128xf32, #tpu.memory_space<any>> -> memref<512x128xf32, #tpu.memory_space<any>>
          tpu.wait_dma2 semaphore(%arg9 : memref<!tpu.dma_semaphore, #tpu.memory_space<semaphore_mem>>) src(%dma_wait3A_237 : memref<512x128xf32, #tpu.memory_space<any>>) dst(%arg7 : memref<512x128xf32, #tpu.memory_space<vmem>>)
        } else {
        }
        %ne3A_145 = arith.constant 0 : i32
        %ne3A_146 = arith.cmpi ne, %select_n3A_139, %ne3A_145 : i32
        %convert_element_type3A_147 = arith.extui %ne3A_146 : i1 to i32
        %cond3A_148 = arith.constant 0 : i32
        %cond3A_149 = arith.cmpi ne, %convert_element_type3A_147, %cond3A_148 : i32
        scf.if %cond3A_149 {
          %dma_wait3A = arith.constant 0 : i32
          %dma_wait3A_236 = arith.constant 0 : i32
          %dma_wait3A_237 = tpu.memref_slice %arg1[%dma_wait3A, %dma_wait3A_236] : memref<163840x128xf32, #tpu.memory_space<any>> -> memref<512x128xf32, #tpu.memory_space<any>>
          tpu.wait_dma2 semaphore(%arg10 : memref<!tpu.dma_semaphore, #tpu.memory_space<semaphore_mem>>) src(%dma_wait3A_237 : memref<512x128xf32, #tpu.memory_space<any>>) dst(%arg8 : memref<512x128xf32, #tpu.memory_space<vmem>>)
        } else {
        }
        %jit3A_150 = arith.constant 2 : i32
        %eq3A_151 = arith.constant 0 : i32
        %eq3A_152 = arith.cmpi eq, %jit3A_150, %eq3A_151 : i32
        %jit3A_153 = arith.constant 1 : i32
        %select_n3A_154 = arith.select %eq3A_152, %jit3A_153, %jit3A_150 : i32
        %rem3A_155 = arith.remsi %while3A_86, %select_n3A_154 : i32
        %ne3A_156 = arith.constant 0 : i32
        %ne3A_157 = arith.cmpi ne, %rem3A_155, %ne3A_156 : i32
        %lt3A_158 = arith.constant 0 : i32
        %lt3A_159 = arith.cmpi slt, %rem3A_155, %lt3A_158 : i32
        %lt3A_160 = arith.constant 0 : i32
        %lt3A_161 = arith.cmpi slt, %select_n3A_154, %lt3A_160 : i32
        %ne3A_162 = arith.xori %lt3A_159, %lt3A_161 : i1
        %and3A_163 = arith.andi %ne3A_162, %ne3A_157 : i1
        %add3A_164 = arith.addi %rem3A_155, %select_n3A_154 : i32
        %select_n3A_165 = arith.select %and3A_163, %add3A_164, %rem3A_155 : i32
        %eq3A_166 = arith.constant 0 : i32
        %eq3A_167 = arith.cmpi eq, %select_n3A_165, %eq3A_166 : i32
        %convert_element_type3A_168 = arith.extui %eq3A_167 : i1 to i32
        %cond3A_169 = arith.constant 0 : i32
        %cond3A_170 = arith.cmpi ne, %convert_element_type3A_168, %cond3A_169 : i32
        %cond3A_171 = scf.if %cond3A_170 -> (vector<512x128xf32>) {
          %get3A_236 = arith.constant 0 : index
          %get3A_237 = arith.constant 0 : index
          %get3A_238 = vector.load %arg7[%get3A_236, %get3A_237] : memref<512x128xf32, #tpu.memory_space<vmem>>, vector<512x128xf32>
          scf.yield %get3A_238 : vector<512x128xf32>
        } else {
          %get3A_236 = arith.constant 0 : index
          %get3A_237 = arith.constant 0 : index
          %get3A_238 = vector.load %arg8[%get3A_236, %get3A_237] : memref<512x128xf32, #tpu.memory_space<vmem>>, vector<512x128xf32>
          scf.yield %get3A_238 : vector<512x128xf32>
        }
        %get3A_172 = arith.index_cast %mul3A_87 : i32 to index
        %get3A_173 = arith.constant 0 : index
        %get3A_174 = vector.load %arg5[%get3A_172, %get3A_173] : memref<12288x128xf32, #tpu.memory_space<vmem>>, vector<512x128xf32>
        %get3A_175 = arith.index_cast %mul3A_87 : i32 to index
        %get3A_176 = arith.constant 0 : index
        %get3A_177 = vector.load %arg6[%get3A_175, %get3A_176] : memref<12288x128xf32, #tpu.memory_space<vmem>>, vector<512x128xf32>
        %get3A_178 = arith.constant 0 : index
        %get3A_179 = arith.constant 0 : index
        %get3A_180 = vector.load %arg2[%get3A_178, %get3A_179] : memref<128x512xf32, #tpu.memory_space<vmem>>, vector<128x512xf32>
        %dot_general3A = arith.constant dense<0.000000e+00> : vector<512x512xf32>
        %dot_general3A_181 = tpu.matmul %cond3A_171, %get3A_180, %dot_general3A {dimension_numbers = #tpu.dot_dimension_numbers<[1], [0], [0], [1], [0, 0, 1, 1], [], []>, transpose_lhs_hint = false} : vector<512x128xf32>, vector<128x512xf32>, vector<512x512xf32> -> vector<512x512xf32>
        %get3A_182 = arith.constant 0 : index
        %get3A_183 = arith.constant 0 : index
        %get3A_184 = vector.load %arg3[%get3A_182, %get3A_183] : memref<128x512xf32, #tpu.memory_space<vmem>>, vector<128x512xf32>
        %dot_general3A_185 = arith.constant dense<0.000000e+00> : vector<512x512xf32>
        %dot_general3A_186 = tpu.matmul %get3A_174, %get3A_184, %dot_general3A_185 {dimension_numbers = #tpu.dot_dimension_numbers<[1], [0], [0], [1], [0, 0, 1, 1], [], []>, transpose_lhs_hint = false} : vector<512x128xf32>, vector<128x512xf32>, vector<512x512xf32> -> vector<512x512xf32>
        %add3A_187 = arith.addf %dot_general3A_181, %dot_general3A_186 : vector<512x512xf32>
        %get3A_188 = arith.constant 0 : index
        %get3A_189 = arith.constant 0 : index
        %get3A_190 = vector.load %arg4[%get3A_188, %get3A_189] : memref<1x512xf32, #tpu.memory_space<vmem>>, vector<1x512xf32>
        %add3A_191 = vector.broadcast %get3A_190 : vector<1x512xf32> to vector<512x512xf32>
        %add3A_192 = arith.addf %add3A_187, %add3A_191 : vector<512x512xf32>
        %slice3A = vector.extract_strided_slice %add3A_192 {offsets = [0, 0], sizes = [512, 128], strides = [1, 1]} : vector<512x512xf32> to vector<512x128xf32>
        %logistic3A = arith.negf %slice3A : vector<512x128xf32>
        %logistic3A_193 = math.exp %logistic3A : vector<512x128xf32>
        %logistic3A_194 = arith.constant 1.000000e+00 : f32
        %logistic3A_195 = vector.broadcast %logistic3A_194 : f32 to vector<512x128xf32>
        %logistic3A_196 = arith.addf %logistic3A_195, %logistic3A_193 : vector<512x128xf32>
        %logistic3A_197 = arith.divf %logistic3A_195, %logistic3A_196 : vector<512x128xf32>
        %slice3A_198 = vector.extract_strided_slice %add3A_192 {offsets = [0, 128], sizes = [512, 128], strides = [1, 1]} : vector<512x512xf32> to vector<512x128xf32>
        %logistic3A_199 = arith.negf %slice3A_198 : vector<512x128xf32>
        %logistic3A_200 = math.exp %logistic3A_199 : vector<512x128xf32>
        %logistic3A_201 = arith.constant 1.000000e+00 : f32
        %logistic3A_202 = vector.broadcast %logistic3A_201 : f32 to vector<512x128xf32>
        %logistic3A_203 = arith.addf %logistic3A_202, %logistic3A_200 : vector<512x128xf32>
        %logistic3A_204 = arith.divf %logistic3A_202, %logistic3A_203 : vector<512x128xf32>
        %slice3A_205 = vector.extract_strided_slice %add3A_192 {offsets = [0, 256], sizes = [512, 128], strides = [1, 1]} : vector<512x512xf32> to vector<512x128xf32>
        %tanh3A = math.tanh %slice3A_205 : vector<512x128xf32>
        %slice3A_206 = vector.extract_strided_slice %add3A_192 {offsets = [0, 384], sizes = [512, 128], strides = [1, 1]} : vector<512x512xf32> to vector<512x128xf32>
        %logistic3A_207 = arith.negf %slice3A_206 : vector<512x128xf32>
        %logistic3A_208 = math.exp %logistic3A_207 : vector<512x128xf32>
        %logistic3A_209 = arith.constant 1.000000e+00 : f32
        %logistic3A_210 = vector.broadcast %logistic3A_209 : f32 to vector<512x128xf32>
        %logistic3A_211 = arith.addf %logistic3A_210, %logistic3A_208 : vector<512x128xf32>
        %logistic3A_212 = arith.divf %logistic3A_210, %logistic3A_211 : vector<512x128xf32>
        %mul3A_213 = arith.mulf %logistic3A_204, %get3A_177 : vector<512x128xf32>
        %mul3A_214 = arith.mulf %logistic3A_197, %tanh3A : vector<512x128xf32>
        %add3A_215 = arith.addf %mul3A_213, %mul3A_214 : vector<512x128xf32>
        %tanh3A_216 = math.tanh %add3A_215 : vector<512x128xf32>
        %mul3A_217 = arith.mulf %logistic3A_212, %tanh3A_216 : vector<512x128xf32>
        %iota3A = tpu.iota {dimensions = array<i32: 0>} : vector<512x1xi32>
        %add3A_218 = vector.broadcast %mul3A_87 : i32 to vector<512x1xi32>
        %add3A_219 = arith.addi %add3A_218, %iota3A : vector<512x1xi32>
        %lt3A_220 = vector.broadcast %while3A_47 : i32 to vector<512x1xi32>
        %lt3A_221 = arith.cmpi slt, %add3A_219, %lt3A_220 : vector<512x1xi32>
        %broadcast_in_dim3A_222 = vector.shape_cast %lt3A_221 : vector<512x1xi1> to vector<512x1xi1>
        %broadcast_in_dim3A_223 = vector.broadcast %broadcast_in_dim3A_222 : vector<512x1xi1> to vector<512x128xi1>
        %select_n3A_224 = arith.select %broadcast_in_dim3A_223, %mul3A_217, %get3A_174 : vector<512x128xi1>, vector<512x128xf32>
        %swap3A_225 = arith.index_cast %mul3A_87 : i32 to index
        %swap3A_226 = arith.constant 0 : index
        %swap3A_227 = vector.load %arg5[%swap3A_225, %swap3A_226] : memref<12288x128xf32, #tpu.memory_space<vmem>>, vector<512x128xf32>
        tpu.vector_store %arg5[%swap3A_225, %swap3A_226], %select_n3A_224 {strides = array<i32>} : memref<12288x128xf32, #tpu.memory_space<vmem>>, vector<512x128xf32>,
        %broadcast_in_dim3A_228 = vector.shape_cast %lt3A_221 : vector<512x1xi1> to vector<512x1xi1>
        %broadcast_in_dim3A_229 = vector.broadcast %broadcast_in_dim3A_228 : vector<512x1xi1> to vector<512x128xi1>
        %select_n3A_230 = arith.select %broadcast_in_dim3A_229, %add3A_215, %get3A_177 : vector<512x128xi1>, vector<512x128xf32>
        %swap3A_231 = arith.index_cast %mul3A_87 : i32 to index
        %swap3A_232 = arith.constant 0 : index
        %swap3A_233 = vector.load %arg6[%swap3A_231, %swap3A_232] : memref<12288x128xf32, #tpu.memory_space<vmem>>, vector<512x128xf32>
        tpu.vector_store %arg6[%swap3A_231, %swap3A_232], %select_n3A_230 {strides = array<i32>} : memref<12288x128xf32, #tpu.memory_space<vmem>>, vector<512x128xf32>,
        %add3A_234 = arith.constant 1 : i32
        %add3A_235 = arith.addi %while3A_86, %add3A_234 : i32
        scf.yield %add3A_235 : i32
      }
      %while3A_80 = arith.constant 1 : i32
      %while3A_81 = scf.for %while3A_85 = %while3A_77 to %while3A_73 step %while3A_80 iter_args(%while3A_86 = %while3A_79) -> (i32)  : i32 {
        %mul3A = arith.constant 512 : i32
        %mul3A_87 = arith.muli %while3A_85, %mul3A : i32
        %add3A_88 = arith.constant 1 : i32
        %add3A_89 = arith.addi %while3A_85, %add3A_88 : i32
        %lt3A_90 = arith.cmpi slt, %add3A_89, %select_n3A_70 : i32
        %add3A_91 = arith.addi %while3A_44, %mul3A_87 : i32
        %add3A_92 = arith.constant 512 : i32
        %add3A_93 = arith.addi %add3A_91, %add3A_92 : i32
        %add3A_94 = arith.addi %while3A_44, %while3A_47 : i32
        %select_n3A_95 = arith.select %lt3A_90, %add3A_93, %add3A_94 : i32
        %add3A_96 = arith.constant 1 : i32
        %add3A_97 = arith.addi %while3A_86, %add3A_96 : i32
        %jit3A_98 = arith.constant 2 : i32
        %eq3A_99 = arith.constant 0 : i32
        %eq3A_100 = arith.cmpi eq, %jit3A_98, %eq3A_99 : i32
        %jit3A_101 = arith.constant 1 : i32
        %select_n3A_102 = arith.select %eq3A_100, %jit3A_101, %jit3A_98 : i32
        %rem3A_103 = arith.remsi %add3A_97, %select_n3A_102 : i32
        %ne3A_104 = arith.constant 0 : i32
        %ne3A_105 = arith.cmpi ne, %rem3A_103, %ne3A_104 : i32
        %lt3A_106 = arith.constant 0 : i32
        %lt3A_107 = arith.cmpi slt, %rem3A_103, %lt3A_106 : i32
        %lt3A_108 = arith.constant 0 : i32
        %lt3A_109 = arith.cmpi slt, %select_n3A_102, %lt3A_108 : i32
        %ne3A_110 = arith.xori %lt3A_107, %lt3A_109 : i1
        %and3A_111 = arith.andi %ne3A_110, %ne3A_105 : i1
        %add3A_112 = arith.addi %rem3A_103, %select_n3A_102 : i32
        %select_n3A_113 = arith.select %and3A_111, %add3A_112, %rem3A_103 : i32
        %eq3A_114 = arith.constant 0 : i32
        %eq3A_115 = arith.cmpi eq, %select_n3A_113, %eq3A_114 : i32
        %convert_element_type3A_116 = arith.extui %eq3A_115 : i1 to i32
        %cond3A_117 = arith.constant 0 : i32
        %cond3A_118 = arith.cmpi ne, %convert_element_type3A_116, %cond3A_117 : i32
        scf.if %cond3A_118 {
          %dma_start3A = arith.constant 0 : i32
          %dma_start3A_236 = tpu.memref_slice %arg1[%select_n3A_95, %dma_start3A] : memref<163840x128xf32, #tpu.memory_space<any>> -> memref<512x128xf32, #tpu.memory_space<any>>
          tpu.enqueue_dma source(%dma_start3A_236 : memref<512x128xf32, #tpu.memory_space<any>>) target(%arg7 : memref<512x128xf32, #tpu.memory_space<vmem>>) target_semaphore(%arg9 : memref<!tpu.dma_semaphore, #tpu.memory_space<semaphore_mem>>)
        } else {
        }
        %ne3A_119 = arith.constant 0 : i32
        %ne3A_120 = arith.cmpi ne, %select_n3A_113, %ne3A_119 : i32
        %convert_element_type3A_121 = arith.extui %ne3A_120 : i1 to i32
        %cond3A_122 = arith.constant 0 : i32
        %cond3A_123 = arith.cmpi ne, %convert_element_type3A_121, %cond3A_122 : i32
        scf.if %cond3A_123 {
          %dma_start3A = arith.constant 0 : i32
          %dma_start3A_236 = tpu.memref_slice %arg1[%select_n3A_95, %dma_start3A] : memref<163840x128xf32, #tpu.memory_space<any>> -> memref<512x128xf32, #tpu.memory_space<any>>
          tpu.enqueue_dma source(%dma_start3A_236 : memref<512x128xf32, #tpu.memory_space<any>>) target(%arg8 : memref<512x128xf32, #tpu.memory_space<vmem>>) target_semaphore(%arg10 : memref<!tpu.dma_semaphore, #tpu.memory_space<semaphore_mem>>)
        } else {
        }
        %jit3A_124 = arith.constant 2 : i32
        %eq3A_125 = arith.constant 0 : i32
        %eq3A_126 = arith.cmpi eq, %jit3A_124, %eq3A_125 : i32
        %jit3A_127 = arith.constant 1 : i32
        %select_n3A_128 = arith.select %eq3A_126, %jit3A_127, %jit3A_124 : i32
        %rem3A_129 = arith.remsi %while3A_86, %select_n3A_128 : i32
        %ne3A_130 = arith.constant 0 : i32
        %ne3A_131 = arith.cmpi ne, %rem3A_129, %ne3A_130 : i32
        %lt3A_132 = arith.constant 0 : i32
        %lt3A_133 = arith.cmpi slt, %rem3A_129, %lt3A_132 : i32
        %lt3A_134 = arith.constant 0 : i32
        %lt3A_135 = arith.cmpi slt, %select_n3A_128, %lt3A_134 : i32
        %ne3A_136 = arith.xori %lt3A_133, %lt3A_135 : i1
        %and3A_137 = arith.andi %ne3A_136, %ne3A_131 : i1
        %add3A_138 = arith.addi %rem3A_129, %select_n3A_128 : i32
        %select_n3A_139 = arith.select %and3A_137, %add3A_138, %rem3A_129 : i32
        %eq3A_140 = arith.constant 0 : i32
        %eq3A_141 = arith.cmpi eq, %select_n3A_139, %eq3A_140 : i32
        %convert_element_type3A_142 = arith.extui %eq3A_141 : i1 to i32
        %cond3A_143 = arith.constant 0 : i32
        %cond3A_144 = arith.cmpi ne, %convert_element_type3A_142, %cond3A_143 : i32
        scf.if %cond3A_144 {
          %dma_wait3A = arith.constant 0 : i32
          %dma_wait3A_236 = arith.constant 0 : i32
          %dma_wait3A_237 = tpu.memref_slice %arg1[%dma_wait3A, %dma_wait3A_236] : memref<163840x128xf32, #tpu.memory_space<any>> -> memref<512x128xf32, #tpu.memory_space<any>>
          tpu.wait_dma2 semaphore(%arg9 : memref<!tpu.dma_semaphore, #tpu.memory_space<semaphore_mem>>) src(%dma_wait3A_237 : memref<512x128xf32, #tpu.memory_space<any>>) dst(%arg7 : memref<512x128xf32, #tpu.memory_space<vmem>>)
        } else {
        }
        %ne3A_145 = arith.constant 0 : i32
        %ne3A_146 = arith.cmpi ne, %select_n3A_139, %ne3A_145 : i32
        %convert_element_type3A_147 = arith.extui %ne3A_146 : i1 to i32
        %cond3A_148 = arith.constant 0 : i32
        %cond3A_149 = arith.cmpi ne, %convert_element_type3A_147, %cond3A_148 : i32
        scf.if %cond3A_149 {
          %dma_wait3A = arith.constant 0 : i32
          %dma_wait3A_236 = arith.constant 0 : i32
          %dma_wait3A_237 = tpu.memref_slice %arg1[%dma_wait3A, %dma_wait3A_236] : memref<163840x128xf32, #tpu.memory_space<any>> -> memref<512x128xf32, #tpu.memory_space<any>>
          tpu.wait_dma2 semaphore(%arg10 : memref<!tpu.dma_semaphore, #tpu.memory_space<semaphore_mem>>) src(%dma_wait3A_237 : memref<512x128xf32, #tpu.memory_space<any>>) dst(%arg8 : memref<512x128xf32, #tpu.memory_space<vmem>>)
        } else {
        }
        %jit3A_150 = arith.constant 2 : i32
        %eq3A_151 = arith.constant 0 : i32
        %eq3A_152 = arith.cmpi eq, %jit3A_150, %eq3A_151 : i32
        %jit3A_153 = arith.constant 1 : i32
        %select_n3A_154 = arith.select %eq3A_152, %jit3A_153, %jit3A_150 : i32
        %rem3A_155 = arith.remsi %while3A_86, %select_n3A_154 : i32
        %ne3A_156 = arith.constant 0 : i32
        %ne3A_157 = arith.cmpi ne, %rem3A_155, %ne3A_156 : i32
        %lt3A_158 = arith.constant 0 : i32
        %lt3A_159 = arith.cmpi slt, %rem3A_155, %lt3A_158 : i32
        %lt3A_160 = arith.constant 0 : i32
        %lt3A_161 = arith.cmpi slt, %select_n3A_154, %lt3A_160 : i32
        %ne3A_162 = arith.xori %lt3A_159, %lt3A_161 : i1
        %and3A_163 = arith.andi %ne3A_162, %ne3A_157 : i1
        %add3A_164 = arith.addi %rem3A_155, %select_n3A_154 : i32
        %select_n3A_165 = arith.select %and3A_163, %add3A_164, %rem3A_155 : i32
        %eq3A_166 = arith.constant 0 : i32
        %eq3A_167 = arith.cmpi eq, %select_n3A_165, %eq3A_166 : i32
        %convert_element_type3A_168 = arith.extui %eq3A_167 : i1 to i32
        %cond3A_169 = arith.constant 0 : i32
        %cond3A_170 = arith.cmpi ne, %convert_element_type3A_168, %cond3A_169 : i32
        %cond3A_171 = scf.if %cond3A_170 -> (vector<512x128xf32>) {
          %get3A_236 = arith.constant 0 : index
          %get3A_237 = arith.constant 0 : index
          %get3A_238 = vector.load %arg7[%get3A_236, %get3A_237] : memref<512x128xf32, #tpu.memory_space<vmem>>, vector<512x128xf32>
          scf.yield %get3A_238 : vector<512x128xf32>
        } else {
          %get3A_236 = arith.constant 0 : index
          %get3A_237 = arith.constant 0 : index
          %get3A_238 = vector.load %arg8[%get3A_236, %get3A_237] : memref<512x128xf32, #tpu.memory_space<vmem>>, vector<512x128xf32>
          scf.yield %get3A_238 : vector<512x128xf32>
        }
        %get3A_172 = arith.index_cast %mul3A_87 : i32 to index
        %get3A_173 = arith.constant 0 : index
        %get3A_174 = vector.load %arg5[%get3A_172, %get3A_173] : memref<12288x128xf32, #tpu.memory_space<vmem>>, vector<512x128xf32>
        %get3A_175 = arith.index_cast %mul3A_87 : i32 to index
        %get3A_176 = arith.constant 0 : index
        %get3A_177 = vector.load %arg6[%get3A_175, %get3A_176] : memref<12288x128xf32, #tpu.memory_space<vmem>>, vector<512x128xf32>
        %get3A_178 = arith.constant 0 : index
        %get3A_179 = arith.constant 0 : index
        %get3A_180 = vector.load %arg2[%get3A_178, %get3A_179] : memref<128x512xf32, #tpu.memory_space<vmem>>, vector<128x512xf32>
        %dot_general3A = arith.constant dense<0.000000e+00> : vector<512x512xf32>
        %dot_general3A_181 = tpu.matmul %cond3A_171, %get3A_180, %dot_general3A {dimension_numbers = #tpu.dot_dimension_numbers<[1], [0], [0], [1], [0, 0, 1, 1], [], []>, transpose_lhs_hint = false} : vector<512x128xf32>, vector<128x512xf32>, vector<512x512xf32> -> vector<512x512xf32>
        %get3A_182 = arith.constant 0 : index
        %get3A_183 = arith.constant 0 : index
        %get3A_184 = vector.load %arg3[%get3A_182, %get3A_183] : memref<128x512xf32, #tpu.memory_space<vmem>>, vector<128x512xf32>
        %dot_general3A_185 = arith.constant dense<0.000000e+00> : vector<512x512xf32>
        %dot_general3A_186 = tpu.matmul %get3A_174, %get3A_184, %dot_general3A_185 {dimension_numbers = #tpu.dot_dimension_numbers<[1], [0], [0], [1], [0, 0, 1, 1], [], []>, transpose_lhs_hint = false} : vector<512x128xf32>, vector<128x512xf32>, vector<512x512xf32> -> vector<512x512xf32>
        %add3A_187 = arith.addf %dot_general3A_181, %dot_general3A_186 : vector<512x512xf32>
        %get3A_188 = arith.constant 0 : index
        %get3A_189 = arith.constant 0 : index
        %get3A_190 = vector.load %arg4[%get3A_188, %get3A_189] : memref<1x512xf32, #tpu.memory_space<vmem>>, vector<1x512xf32>
        %add3A_191 = vector.broadcast %get3A_190 : vector<1x512xf32> to vector<512x512xf32>
        %add3A_192 = arith.addf %add3A_187, %add3A_191 : vector<512x512xf32>
        %slice3A = vector.extract_strided_slice %add3A_192 {offsets = [0, 0], sizes = [512, 128], strides = [1, 1]} : vector<512x512xf32> to vector<512x128xf32>
        %logistic3A = arith.negf %slice3A : vector<512x128xf32>
        %logistic3A_193 = math.exp %logistic3A : vector<512x128xf32>
        %logistic3A_194 = arith.constant 1.000000e+00 : f32
        %logistic3A_195 = vector.broadcast %logistic3A_194 : f32 to vector<512x128xf32>
        %logistic3A_196 = arith.addf %logistic3A_195, %logistic3A_193 : vector<512x128xf32>
        %logistic3A_197 = arith.divf %logistic3A_195, %logistic3A_196 : vector<512x128xf32>
        %slice3A_198 = vector.extract_strided_slice %add3A_192 {offsets = [0, 128], sizes = [512, 128], strides = [1, 1]} : vector<512x512xf32> to vector<512x128xf32>
        %logistic3A_199 = arith.negf %slice3A_198 : vector<512x128xf32>
        %logistic3A_200 = math.exp %logistic3A_199 : vector<512x128xf32>
        %logistic3A_201 = arith.constant 1.000000e+00 : f32
        %logistic3A_202 = vector.broadcast %logistic3A_201 : f32 to vector<512x128xf32>
        %logistic3A_203 = arith.addf %logistic3A_202, %logistic3A_200 : vector<512x128xf32>
        %logistic3A_204 = arith.divf %logistic3A_202, %logistic3A_203 : vector<512x128xf32>
        %slice3A_205 = vector.extract_strided_slice %add3A_192 {offsets = [0, 256], sizes = [512, 128], strides = [1, 1]} : vector<512x512xf32> to vector<512x128xf32>
        %tanh3A = math.tanh %slice3A_205 : vector<512x128xf32>
        %slice3A_206 = vector.extract_strided_slice %add3A_192 {offsets = [0, 384], sizes = [512, 128], strides = [1, 1]} : vector<512x512xf32> to vector<512x128xf32>
        %logistic3A_207 = arith.negf %slice3A_206 : vector<512x128xf32>
        %logistic3A_208 = math.exp %logistic3A_207 : vector<512x128xf32>
        %logistic3A_209 = arith.constant 1.000000e+00 : f32
        %logistic3A_210 = vector.broadcast %logistic3A_209 : f32 to vector<512x128xf32>
        %logistic3A_211 = arith.addf %logistic3A_210, %logistic3A_208 : vector<512x128xf32>
        %logistic3A_212 = arith.divf %logistic3A_210, %logistic3A_211 : vector<512x128xf32>
        %mul3A_213 = arith.mulf %logistic3A_204, %get3A_177 : vector<512x128xf32>
        %mul3A_214 = arith.mulf %logistic3A_197, %tanh3A : vector<512x128xf32>
        %add3A_215 = arith.addf %mul3A_213, %mul3A_214 : vector<512x128xf32>
        %tanh3A_216 = math.tanh %add3A_215 : vector<512x128xf32>
        %mul3A_217 = arith.mulf %logistic3A_212, %tanh3A_216 : vector<512x128xf32>
        %iota3A = tpu.iota {dimensions = array<i32: 0>} : vector<512x1xi32>
        %add3A_218 = vector.broadcast %mul3A_87 : i32 to vector<512x1xi32>
        %add3A_219 = arith.addi %add3A_218, %iota3A : vector<512x1xi32>
        %lt3A_220 = vector.broadcast %while3A_47 : i32 to vector<512x1xi32>
        %lt3A_221 = arith.cmpi slt, %add3A_219, %lt3A_220 : vector<512x1xi32>
        %broadcast_in_dim3A_222 = vector.shape_cast %lt3A_221 : vector<512x1xi1> to vector<512x1xi1>
        %broadcast_in_dim3A_223 = vector.broadcast %broadcast_in_dim3A_222 : vector<512x1xi1> to vector<512x128xi1>
        %select_n3A_224 = arith.select %broadcast_in_dim3A_223, %mul3A_217, %get3A_174 : vector<512x128xi1>, vector<512x128xf32>
        %swap3A_225 = arith.index_cast %mul3A_87 : i32 to index
        %swap3A_226 = arith.constant 0 : index
        %swap3A_227 = vector.load %arg5[%swap3A_225, %swap3A_226] : memref<12288x128xf32, #tpu.memory_space<vmem>>, vector<512x128xf32>
        tpu.vector_store %arg5[%swap3A_225, %swap3A_226], %select_n3A_224 {strides = array<i32>} : memref<12288x128xf32, #tpu.memory_space<vmem>>, vector<512x128xf32>,
        %broadcast_in_dim3A_228 = vector.shape_cast %lt3A_221 : vector<512x1xi1> to vector<512x1xi1>
        %broadcast_in_dim3A_229 = vector.broadcast %broadcast_in_dim3A_228 : vector<512x1xi1> to vector<512x128xi1>
        %select_n3A_230 = arith.select %broadcast_in_dim3A_229, %add3A_215, %get3A_177 : vector<512x128xi1>, vector<512x128xf32>
        %swap3A_231 = arith.index_cast %mul3A_87 : i32 to index
        %swap3A_232 = arith.constant 0 : index
        %swap3A_233 = vector.load %arg6[%swap3A_231, %swap3A_232] : memref<12288x128xf32, #tpu.memory_space<vmem>>, vector<512x128xf32>
        tpu.vector_store %arg6[%swap3A_231, %swap3A_232], %select_n3A_230 {strides = array<i32>} : memref<12288x128xf32, #tpu.memory_space<vmem>>, vector<512x128xf32>,
        %add3A_234 = arith.constant 1 : i32
        %add3A_235 = arith.addi %while3A_86, %add3A_234 : i32
        scf.yield %add3A_235 : i32
      }
      %add3A_82 = arith.constant 1 : i32
      %add3A_83 = arith.addi %while3A_43, %add3A_82 : i32
      %add3A_84 = arith.addi %while3A_44, %while3A_47 : i32
      scf.yield %add3A_83, %add3A_84, %while3A_47, %while3A_81 : i32, i32, i32, i32
    }
    %jit3A = arith.constant 2 : i32
    %eq3A_23 = arith.constant 0 : i32
    %eq3A_24 = arith.cmpi eq, %jit3A, %eq3A_23 : i32
    %jit3A_25 = arith.constant 1 : i32
    %select_n3A = arith.select %eq3A_24, %jit3A_25, %jit3A : i32
    %rem3A = arith.remsi %while3A_22#3, %select_n3A : i32
    %ne3A_26 = arith.constant 0 : i32
    %ne3A_27 = arith.cmpi ne, %rem3A, %ne3A_26 : i32
    %lt3A = arith.constant 0 : i32
    %lt3A_28 = arith.cmpi slt, %rem3A, %lt3A : i32
    %lt3A_29 = arith.constant 0 : i32
    %lt3A_30 = arith.cmpi slt, %select_n3A, %lt3A_29 : i32
    %ne3A_31 = arith.xori %lt3A_28, %lt3A_30 : i1
    %and3A = arith.andi %ne3A_31, %ne3A_27 : i1
    %add3A = arith.addi %rem3A, %select_n3A : i32
    %select_n3A_32 = arith.select %and3A, %add3A, %rem3A : i32
    %eq3A_33 = arith.constant 0 : i32
    %eq3A_34 = arith.cmpi eq, %select_n3A_32, %eq3A_33 : i32
    %convert_element_type3A_35 = arith.extui %eq3A_34 : i1 to i32
    %cond3A_36 = arith.constant 0 : i32
    %cond3A_37 = arith.cmpi ne, %convert_element_type3A_35, %cond3A_36 : i32
    scf.if %cond3A_37 {
      %dma_wait3A = arith.constant 0 : i32
      %dma_wait3A_43 = arith.constant 0 : i32
      %dma_wait3A_44 = tpu.memref_slice %arg1[%dma_wait3A, %dma_wait3A_43] : memref<163840x128xf32, #tpu.memory_space<any>> -> memref<512x128xf32, #tpu.memory_space<any>>
      tpu.wait_dma2 semaphore(%arg9 : memref<!tpu.dma_semaphore, #tpu.memory_space<semaphore_mem>>) src(%dma_wait3A_44 : memref<512x128xf32, #tpu.memory_space<any>>) dst(%arg7 : memref<512x128xf32, #tpu.memory_space<vmem>>)
    } else {
    }
    %ne3A_38 = arith.constant 0 : i32
    %ne3A_39 = arith.cmpi ne, %select_n3A_32, %ne3A_38 : i32
    %convert_element_type3A_40 = arith.extui %ne3A_39 : i1 to i32
    %cond3A_41 = arith.constant 0 : i32
    %cond3A_42 = arith.cmpi ne, %convert_element_type3A_40, %cond3A_41 : i32
    scf.if %cond3A_42 {
      %dma_wait3A = arith.constant 0 : i32
      %dma_wait3A_43 = arith.constant 0 : i32
      %dma_wait3A_44 = tpu.memref_slice %arg1[%dma_wait3A, %dma_wait3A_43] : memref<163840x128xf32, #tpu.memory_space<any>> -> memref<512x128xf32, #tpu.memory_space<any>>
      tpu.wait_dma2 semaphore(%arg10 : memref<!tpu.dma_semaphore, #tpu.memory_space<semaphore_mem>>) src(%dma_wait3A_44 : memref<512x128xf32, #tpu.memory_space<any>>) dst(%arg8 : memref<512x128xf32, #tpu.memory_space<vmem>>)
    } else {
    }
    return
  }
}

module attributes {stable_mosaic.version = 14 : i64} {
  func.func @body(%arg0: i32, %arg1: memref<400x128xf32, #tpu.memory_space<vmem>>, %arg2: memref<400x128xf32, #tpu.memory_space<vmem>>, %arg3: memref<256x128xf32, #tpu.memory_space<vmem>>, %arg4: memref<400x128xf32, #tpu.memory_space<vmem>>) attributes {dimension_semantics = [#tpu.dimension_semantics<arbitrary>], iteration_bounds = array<i64: 25>, scalar_prefetch = 0 : i64, scratch_operands = 0 : i64, tpu.core_type = #tpu.core_type<tc>, window_params = [{transform_indices = @transform_0, window_bounds = array<i64: 400, 128>}, {transform_indices = @transform_1, window_bounds = array<i64: 400, 128>}, {pipeline_mode = #tpu.pipeline_mode<synchronous>, transform_indices = @transform_2, window_bounds = array<i64: 256, 128>}, {transform_indices = @transform_3, window_bounds = array<i64: 400, 128>}]} {
    %get3A = arith.constant 0 : index
    %get3A_0 = arith.constant 0 : index
    %get3A_1 = vector.load %arg1[%get3A, %get3A_0] : memref<400x128xf32, #tpu.memory_space<vmem>>, vector<400x128xf32>
    %get3A_2 = arith.constant 0 : index
    %get3A_3 = arith.constant 0 : index
    %get3A_4 = vector.load %arg3[%get3A_2, %get3A_3] : memref<256x128xf32, #tpu.memory_space<vmem>>, vector<128x128xf32>
    %dot_general3A = arith.constant dense<0.000000e+00> : vector<400x128xf32>
    %dot_general3A_5 = tpu.matmul %get3A_1, %get3A_4, %dot_general3A {dimension_numbers = #tpu.dot_dimension_numbers<[1], [0], [0], [1], [0, 0, 1, 1], [], []>, transpose_lhs_hint = false} : vector<400x128xf32>, vector<128x128xf32>, vector<400x128xf32> -> vector<400x128xf32>
    %get3A_6 = arith.constant 0 : index
    %get3A_7 = arith.constant 0 : index
    %get3A_8 = vector.load %arg2[%get3A_6, %get3A_7] : memref<400x128xf32, #tpu.memory_space<vmem>>, vector<400x128xf32>
    %get3A_9 = arith.constant 128 : index
    %get3A_10 = arith.constant 0 : index
    %get3A_11 = vector.load %arg3[%get3A_9, %get3A_10] : memref<256x128xf32, #tpu.memory_space<vmem>>, vector<128x128xf32>
    %dot_general3A_12 = arith.constant dense<0.000000e+00> : vector<400x128xf32>
    %dot_general3A_13 = tpu.matmul %get3A_8, %get3A_11, %dot_general3A_12 {dimension_numbers = #tpu.dot_dimension_numbers<[1], [0], [0], [1], [0, 0, 1, 1], [], []>, transpose_lhs_hint = false} : vector<400x128xf32>, vector<128x128xf32>, vector<400x128xf32> -> vector<400x128xf32>
    %add3A = arith.addf %dot_general3A_5, %dot_general3A_13 : vector<400x128xf32>
    %swap3A = arith.constant 0 : index
    %swap3A_14 = arith.constant 0 : index
    %swap3A_15 = vector.load %arg4[%swap3A, %swap3A_14] : memref<400x128xf32, #tpu.memory_space<vmem>>, vector<400x128xf32>
    tpu.vector_store %arg4[%swap3A, %swap3A_14], %add3A {strides = array<i32>} : memref<400x128xf32, #tpu.memory_space<vmem>>, vector<400x128xf32>,
    return
  }
  func.func @transform_0(%arg0: i32) -> (i32, i32) {
    %c0_i32 = arith.constant 0 : i32
    %c0_i32_0 = arith.constant 0 : i32
    return %arg0, %c0_i32 : i32, i32
  }
  func.func @transform_1(%arg0: i32) -> (i32, i32) {
    %c0_i32 = arith.constant 0 : i32
    %c0_i32_0 = arith.constant 0 : i32
    return %arg0, %c0_i32 : i32, i32
  }
  func.func @transform_2(%arg0: i32) -> (i32, i32) {
    %c0_i32 = arith.constant 0 : i32
    %c0_i32_0 = arith.constant 0 : i32
    %c0_i32_1 = arith.constant 0 : i32
    return %c0_i32, %c0_i32_0 : i32, i32
  }
  func.func @transform_3(%arg0: i32) -> (i32, i32) {
    %c0_i32 = arith.constant 0 : i32
    %c0_i32_0 = arith.constant 0 : i32
    return %arg0, %c0_i32 : i32, i32
  }
}

</mosaic_0001>

<sc_bundles>
// kernel: kernel.6.cloned.1.call-start
scs
__scs_entry_jumppad:
0x0: {  	(pc) =	sbr.rel $0x88, $3  }
0x1: {  	(tag) =	ssettag $0x0;
	lr =	simm.s32 $0x1  }
0x2: {  	[smem:$0x3F9A] =	sst lr;
	_ =	strace $0xD0000000  }
0x3: {  	_ = 	snop  }
0x4: {  	_ = 	snop  }
0x5: {  	_ = 	snop  }
0x6: {  	_ = 	snop  }
0x7: {  	_ = 	snop  }
__scs_overlays_trampoline_lowered:
0x8: {  	[smem:$0x3FA9] =	sst s0  }
0x9: {  	[smem:$0x3FAA] =	sst s1  }
0xa: {  	[smem:$0x3FAB] =	sst s2  }
0xb: {  	[smem:$0x3FAC] =	sst s3  }
0xc: {  	[smem:$0x3FAD] =	sst s4  }
0xd: {  	[smem:$0x3FAE] =	sst s5  }
0xe: {  	[smem:$0x3FAF] =	sst s6  }
0xf: {  	[smem:$0x3FB0] =	sst s7  }
0x10: {  	[smem:$0x3FB1] =	sst s8  }
0x11: {  	[smem:$0x3FB2] =	sst s9;
	s0 =	simm.s32 @!p0 $0x0  }
0x12: {  	s1 =	sld [smem:$0x3F98];
	s0 =	simm.s32 @p0 $0x1  }
0x13: {  	[smem:$0x3FB3] =	sst s0;
	s0 =	simm.s32 @!p1 $0x0  }
0x14: {  	s2 =	sld [smem:$0x3F97];
	s0 =	simm.s32 @p1 $0x1  }
0x15: {  	[smem:$0x3FB4] =	sst s0;
	s0 =	simm.s32 @!p2 $0x0  }
0x16: {  	s3 =	sld [smem:$0x3FDB];
	s0 =	simm.s32 @p2 $0x1  }
0x17: {  	s4 =	simm.s32 $0x1BF5;
	[smem:$0x3FB6] =	sst s0  }
0x18: {  	s0 =	sld [smem:$0x3F99];
	_ =	swait.ge [sflag:s4], $0x0  }
0x19: {  	s7 =	sld [smem:$0x3F9A]  }
0x1a: {  	s8 =	sadd.s32 $0xFFFFE003, lr  }
0x1b: {  	s9 =	sadd.s32 $0xFFFFFEF7, lr;
	s5 =	simm.s32 $0xFFFFFFFF;
	p2 =	slt.u32 s8, $0xFFFFF086  }
0x1c: {  	p1 =	slt.u32 s9, $0xF7A;
	s5 =	simm.s32 @!p2 $0x0  }
0x1d: {  	s5 =	simm.s32 @p1 $0x1;
	p0 =	seq.s32 s7, s2  }
0x1e: {  	s7 =	smul.u32 @!p0 $0xF7A, s2;
	p2 =	seq.s32 @!p0 s5, $0x0  }
0x1f: {  	s9 =	smul.u32 $0xF7A, s1;
	s8 =	simm.s32 @!p0 $0x1BF5;
	p2 =	por !p2, p0  }
0x20: {  	[sflag:s8] =	ssyncset.s32 @!p0 $0xFFFFF086;
	s6 =	sadd.s32 @!p0 s3, s7;
	s7 =	simm.s32 @!p0 $0x108  }
0x21: {  	s3 =	sadd.s32 s3, s9;
	s6 =	sadd.s32 @!p0 $0x88, s6;
	s7 =	simm.s32 @p2 $0x1082  }
0x22: {  	[simem:s7], [sflag:s8] =	dma.local @!p0 [hbm:s6], $0xF7A  }
0x23: {  	s9 =	sor.u32 $0xD0000000, s2;
	s6 =	simm.s32 $0x108;
	_ =	swait.ge @!p0 [sflag:s8], $0x0  }
0x24: {  	s3 =	sadd.s32 $0x88, s3;
	s6 =	simm.s32 @!p1 $0x1082;
	[sflag:s4] =	ssyncset.s32 $0xFFFFF086  }
0x25: {  	[simem:s6], [sflag:s4] =	dma.local [hbm:s3], $0xF7A  }
0x26: {  	[smem:$0x3F9A] =	sst s1;
	(tag) =	ssettag s2;
	_ =	strace s9  }
0x27: {  	s1 =	sld [smem:$0x3FAA]  }
0x28: {  	s2 =	sld [smem:$0x3FAB]  }
0x29: {  	s4 =	sld [smem:$0x3FAD]  }
0x2a: {  	p0 =	seq.s32 s5, $0x0;
	s5 =	sld [smem:$0x3FAE]  }
0x2b: {  	s6 =	sld [smem:$0x3FAF]  }
0x2c: {  	s7 =	sld [smem:$0x3FB0]  }
0x2d: {  	s3 =	simm.s32 $0x108;
	s8 =	sld [smem:$0x3FB1]  }
0x2e: {  	s3 =	simm.s32 @!p0 $0x1082;
	s9 =	sld [smem:$0x3FB2]  }
0x2f: {  	lr =	sadd.s32 s0, s3;
	s0 =	sld [smem:$0x3FA9]  }
0x30: {  	s3 =	sld [smem:$0x3FAC]  }
0x31: {  	[smem:$0x3FB5] =	sst s10  }
0x32: {  	s10 =	sld [smem:$0x3FB3];
	_ =	sdelay $0x3  }
0x33: {  	p0 =	seq.s32 s10, $0x1;
	s10 =	sld [smem:$0x3FB5];
	_ =	sdelay $0x3  }
0x34: {  	[smem:$0x3FB5] =	sst s10  }
0x35: {  	s10 =	sld [smem:$0x3FB4];
	_ =	sdelay $0x3  }
0x36: {  	p1 =	seq.s32 s10, $0x1;
	s10 =	sld [smem:$0x3FB5];
	_ =	sdelay $0x3  }
0x37: {  	[smem:$0x3FB5] =	sst s10  }
0x38: {  	s10 =	sld [smem:$0x3FB6]  }
0x39: {  	_ = 	snop;
	(pc) =	sbr.ind lr, $3  }
0x3a: {  	_ = 	snop  }
0x3b: {  	_ = 	snop  }
0x3c: {  	p2 =	seq.s32 s10, $0x1;
	s10 =	sld [smem:$0x3FB5]  }
0x3d: {  	_ =	shalt  }
0x3e: {  	_ =	shalt  }
0x3f: {  	_ =	shalt  }
0x40: {  	_ =	shalt  }
0x41: {  	_ =	shalt  }
0x42: {  	_ =	shalt  }
0x43: {  	_ =	shalt  }
0x44: {  	_ =	shalt  }
0x45: {  	_ =	shalt  }
0x46: {  	_ =	shalt  }
0x47: {  	_ =	shalt  }
0x48: {  	_ =	shalt  }
0x49: {  	_ =	shalt  }
0x4a: {  	_ =	shalt  }
0x4b: {  	_ =	shalt  }
0x4c: {  	_ =	shalt  }
0x4d: {  	_ =	shalt  }
0x4e: {  	_ =	shalt  }
0x4f: {  	_ =	shalt  }
0x50: {  	_ =	shalt  }
0x51: {  	_ =	shalt  }
0x52: {  	_ =	shalt  }
0x53: {  	_ =	shalt  }
0x54: {  	_ =	shalt  }
0x55: {  	_ =	shalt  }
0x56: {  	_ =	shalt  }
0x57: {  	_ =	shalt  }
0x58: {  	_ =	shalt  }
0x59: {  	_ =	shalt  }
0x5a: {  	_ =	shalt  }
0x5b: {  	_ =	shalt  }
0x5c: {  	_ =	shalt  }
0x5d: {  	_ =	shalt  }
0x5e: {  	_ =	shalt  }
0x5f: {  	_ =	shalt  }
0x60: {  	_ =	shalt  }
0x61: {  	_ =	shalt  }
0x62: {  	_ =	shalt  }
0x63: {  	_ =	shalt  }
0x64: {  	_ =	shalt  }
0x65: {  	_ =	shalt  }
0x66: {  	_ =	shalt  }
0x67: {  	_ =	shalt  }
0x68: {  	_ =	shalt  }
0x69: {  	_ =	shalt  }
0x6a: {  	_ =	shalt  }
0x6b: {  	_ =	shalt  }
0x6c: {  	_ =	shalt  }
0x6d: {  	_ =	shalt  }
0x6e: {  	_ =	shalt  }
0x6f: {  	_ =	shalt  }
0x70: {  	_ =	shalt  }
0x71: {  	_ =	shalt  }
0x72: {  	_ =	shalt  }
0x73: {  	_ =	shalt  }
0x74: {  	_ =	shalt  }
0x75: {  	_ =	shalt  }
0x76: {  	_ =	shalt  }
0x77: {  	_ =	shalt  }
0x78: {  	_ =	shalt  }
0x79: {  	_ =	shalt  }
0x7a: {  	_ =	shalt  }
0x7b: {  	_ =	shalt  }
0x7c: {  	_ =	shalt  }
0x7d: {  	_ =	shalt  }
0x7e: {  	_ =	shalt  }
0x7f: {  	_ =	shalt  }
0x80: {  	_ =	shalt  }
0x81: {  	_ =	shalt  }
0x82: {  	_ =	shalt  }
0x83: {  	_ =	shalt  }
0x84: {  	_ =	shalt  }
0x85: {  	_ =	shalt  }
0x86: {  	_ =	shalt  }
0x87: {  	_ =	shalt  }
.Lfunc_end0:
.L_simem_size_0:
called_computation.1_lowered:
.L_overlay_start_0:
0x88: {  	s2 =	sld [smem:$0x3FD9]  }
0x89: {  	s3 =	sld [smem:$0x3FFE];
	_ =	sdelay $0x1  }
0x8a: {  	s1 =	srdreg.scid  }
0x8b: {  	s0 =	sand.u32 $0x1, s1  }
0x8c: {  	s17 =	sshll.u32 s0, $0xA;
	s2 =	sadd.s32 s3, s2  }
0x8d: {  	s2 =	sadd.s32 s2, s17  }
0x8e: {  	[smem:$0x3FC1] =	sst s2  }
0x8f: {  	_ = 	snop  }
0x90: {  	s18 =	sld [smem:$0x3FC9]  }
0x91: {  	s4 =	sld [smem:$0x3FD0];
	(tm) =	ssettm $0x1  }
0x92: {  	s19 =	sld [smem:$0x3FFB];
	_ =	sdelay $0x3  }
0x93: {  	_ =	strace s19  }
0x94: {  	s2 =	sld [smem:$0x3FFC];
	_ =	sdelay $0x3  }
0x95: {  	_ =	strace s2  }
0x96: {  	s2 =	sld [smem:$0x3FFD];
	_ =	sdelay $0x3  }
0x97: {  	_ =	strace s2  }
0x98: {  	_ =	strace $0x8FFFFFFF  }
0x99: {  	s20 =	sld [smem:$0x3FDB];
	_ =	sdelay $0x1  }
0x9a: {  	s5 =	simm.s32 $_scs_section_size  }
0x9b: {  	s6 =	simm.s32 $_size__tile_overlayer_lowered;
	s7 =	simm.s32 $_tile_overlayer_lowered  }
0x9c: {  	s8 =	simm.s32 $0x1BFF;
	s21 =	sshll.u32 s7, $0x1;
	s5 =	sadd.s32 s5, s20  }
0x9d: {  	s22 =	simm.s32 $0x0;
	s6 =	sshll.u32 s6, $0x1;
	s7 =	sadd.s32 s21, s5  }
0x9e: {  	[timem:s22], [sflag:s8] =	dma.local [hbm:s7], s6  }
0x9f: {  	_ =	swait.ge [sflag:s8], s6  }
0xa0: {  	s6 =	ssub.s32 $0x0, s6;
	[sflag:s8] =	ssyncset.done $0x0  }
0xa1: {  	[sflag:s8] =	ssyncadd.s32 s6;
	_ =	sdelay $0x1  }
0xa2: {  	s23 =	simm.s32 $0x1B8B  }
0xa3: {  	_ =	swait.ge [sflag:s23], $0x1  }
0xa4: {  	[sflag:s23] =	ssyncset.done $0x0  }
0xa5: {  	[sflag:s23] =	ssyncadd.s32 $0xFFFFFFFF  }
0xa6: {  	s6 =	sld [smem:$0x0]  }
0xa7: {  	s7 =	sand.u32 $0xFFFFFFFE, s1  }
0xa8: {  	p0 =	sne.s32 s1, s7  }
0xa9: {  	s7 =	sshll.u32 @p0 s7, $0xE  }
0xaa: {  	s7 =	sadd.s32 @p0 $0x11B8D, s7;
	s8 =	sshll.u32 @p0 s6, $0x11  }
0xab: {  	s7 =	sor.u32 @p0 s8, s7  }
0xac: {  	[sflag:s7] =	ssyncadd.remote.s32 @p0 $0x1;
	_ =	sdelay $0x1  }
0xad: {  	s7 =	simm.s32 @p0 $0x1B8D  }
0xae: {  	_ =	swait.eq @p0 [sflag:s7], $0x1  }
0xaf: {  	[sflag:s7] =	ssyncadd.s32 @p0 $0xFFFFFFFF  }
0xb0: {  	s8 =	sshll.u32 @!p0 s1, $0xE  }
0xb1: {  	s8 =	sor.u32 @!p0 $0x4000, s8;
	s7 =	simm.s32 @!p0 $0x1B8D  }
0xb2: {  	s6 =	sshll.u32 @!p0 s6, $0x11;
	s8 =	sadd.s32 @!p0 $0x11B8D, s8;
	_ =	swait.eq @!p0 [sflag:s7], $0x1  }
0xb3: {  	s6 =	sor.u32 @!p0 s6, s8;
	[sflag:s7] =	ssyncadd.s32 @!p0 $0xFFFFFFFF  }
0xb4: {  	s25 =	simm.s32 $0x1B8E;
	s24 =	sld [smem:$0x3FFE];
	[sflag:s6] =	ssyncadd.remote.s32 @!p0 $0x1  }
0xb5: {  	s26 =	simm.s32 $execute0_lowered;
	[smem:$0x3FD2] =	sst s25  }
0xb6: {  	s7 =	sshll.u32 s26, $0x1;
	_ =	strace $0x80000049;
	[dreg:$0x1] =	wrdreg $0xFFFFFFFF  }
0xb7: {  	s28 =	simm.s32 $_size_execute0_lowered;
	s5 =	sadd.s32 s5, s7;
	[dreg:$0x0] =	wrdreg $0x0  }
0xb8: {  	s7 =	sshll.u32 s28, $0x1;
	[dreg:$0x2] =	wrdreg s5  }
0xb9: {  	[dreg:$0x3] =	wrdreg s7  }
0xba: {  	[dreg:$0x4] =	wrdreg $0xC0  }
0xbb: {  	_ =	task [dreg:s22], $0x5FFFF  }
0xbc: {  	[dreg:$0x1] =	wrdreg $0xFFFFFFFF  }
0xbd: {  	[dreg:$0x0] =	wrdreg $0x60  }
0xbe: {  	[dreg:$0x2] =	wrdreg s18  }
0xbf: {  	[dreg:$0x3] =	wrdreg s4  }
0xc0: {  	[dreg:$0x4] =	wrdreg s24  }
0xc1: {  	[dreg:$0x5] =	wrdreg $0xA  }
0xc2: {  	_ =	task.clear_ibuf [dreg:s22], $0x6FFFF;
	_ =	strace $0x90000049  }
0xc3: {  	s29 =	simm.s32 $0xA;
	_ =	strace $0x8000004B  }
0xc4: {  	_ =	swait.ge [sflag:s29], $0x1  }
0xc5: {  	[sflag:s29] =	ssyncadd.s32 $0xFFFFFFFF  }
0xc6: {  	_ =	strace $0x9000004B  }
0xc7: {  	_ =	sfence  }
0xc8: {  	s30 =	sld [smem:$0x0];
	_ =	sdelay $0x2  }
0xc9: {  	s31 =	sshll.u32 s1, $0xD;
	s1 =	sshrl.u32 s1, $0x2  }
0xca: {  	s4 =	sand.u32 $0x4000, s31;
	s1 =	sadd.s32 s1, s30  }
0xcb: {  	s0 =	sor.u32 s4, s0;
	s1 =	sshll.u32 s1, $0x11  }
0xcc: {  	s0 =	sor.u32 s1, s0  }
0xcd: {  	s0 =	sadd.s32 $0x8F2B, s0  }
0xce: {  	[sflag:s0] =	ssyncadd.remote.s32 $0x1  }
0xcf: {  	_ =	sfence.sel $0xFFFF  }
0xd0: {  	[dreg:$0x0] =	wrdreg $0xFFFFFFFF;
	(pc) =	sbr.abs _section_cstart, $3  }
0xd1: {  	[dreg:$0x1] =	wrdreg $0xFFFFFFFF  }
0xd2: {  	_ =	task.clear_ibuf [dreg:s22], $0x2FFFF;
	_ =	strace $0x9FFFFFFF  }
0xd3: {  	(tm) =	ssettm $0x7FFFFFFF  }
tec
execute0_lowered:
.L_overlay_start_1:
0x0: {  	(tag) =	ssettag $0x1  }
0x1: {  	s2 =	rddreg [dreg:$0x0]  }
0x2: {  	s4 =	rddreg [dreg:$0x1]  }
0x3: {  	s5 =	rddreg [dreg:$0x2];
	s3 =	srdreg.scid  }
0x4: {  	s1 =	stileid.u32;
	s10 =	simm.s32 $0x5400;
	s11 =	simm.s32 $0x100  }
0x5: {  	s12 =	simm.s32 $0x9400;
	s13 =	simm.s32 $0x1;
	s14 =	simm.s32 $0x2  }
0x6: {  	s15 =	simm.s32 $0x8;
	s16 =	simm.s32 $0x9;
	s17 =	simm.s32 $0xA  }
0x7: {  	s18 =	simm.s32 $0x6;
	s19 =	simm.s32 $0x15400;
	s20 =	simm.s32 $0x3  }
0x8: {  	s21 =	simm.s32 $0x4;
	s22 =	simm.s32 $0xD400;
	s23 =	simm.s32 $0x5  }
0x9: {  	s6 =	sand.u32 $0x1, s3;
	s7 =	smul.u32 $0x140000, s1;
	s9 =	sshll.u32 s1, $0x1  }
0xa: {  	s24 =	simm.s32 $0x11400;
	s8 =	smul.u32 $0xA0000, s6;
	s9 =	sor.u32 s6, s9  }
0xb: {  	s25 =	simm.s32 $0x0;
	s3 =	simm.s32 $0x0;
	s29 =	smul.u32 $0x280, s9  }
.Ltmp0:
0xc: {  	[smem:$0x7FF] =	sst s3;
	s6 =	ssub.s32 $0x2, s6;
	(pc) =	sbr.rel .LBB2_1-.Ltmp0, $4  }
0xd: {  	_ =	strace $0x8000004A;
	s30 =	sshrl.u32 s6, $0x1;
	s7 =	sadd.s32 s8, s7  }
0xe: {  	s9 =	simm.s32 $0x1400;
	s31 =	ssub.s32 s6, s30;
	s7 =	sshrl.u32 s7, $0x3  }
0xf: {  	s8 =	simm.s32 $0x80;
	s4 =	sadd.s32 s4, s29;
	s7 =	sadd.s32 s7, s5  }
0x10: {  	s5 =	smax.u32 s31, $0x1;
	s6 =	sadd.s32 $0xA600, s7;
	s7 =	simm.s32 $0xD  }
.LBB2_18:
0x11: {  	_ =	swait.ge [sflag:s15], $0x4000  }
0x12: {  	[sflag:s15] =	ssyncset.done $0x0  }
0x13: {  	s25 =	sadd.s32 $0x1, s25;
	[sflag:s15] =	ssyncadd.s32 $0xFFFFC000  }
0x14: {  	p0 =	sne.s32 s25, s5;
	_ =	swait.ge [sflag:s16], $0x4000  }
.Ltmp1:
0x15: {  	[sflag:s16] =	ssyncset.done $0x0;
	(pc) =	sbr.rel @!p0 .LBB2_19-.Ltmp1, $4  }
0x16: {  	[sflag:s16] =	ssyncadd.s32 $0xFFFFC000  }
0x17: {  	_ =	swait.ge [sflag:s17], $0x4000  }
0x18: {  	[sflag:s17] =	ssyncset.done $0x0  }
0x19: {  	[sflag:s17] =	ssyncadd.s32 $0xFFFFC000  }
.LBB2_1:
0x1a: {  	[tilespmem:s3], [sflag:$0xD] =	stream.linear.gather [hbm4b:s4+s3], $0x1400, $0x38;
	[tilespmem:$0x19400] =	vst v63  }
0x1b: {  	_ =	swait.ge [sflag:s7], $0x1400  }
0x1c: {  	[sflag:s7] =	ssyncset.done $0x0  }
0x1d: {  	[sflag:s7] =	ssyncadd.s32 $0xFFFFEC00  }
0x1e: {  	[tilespmem:s9], [sflag:$0x1] =	stream.indirect.gather [hbm4b:s2+s8], $0x80, s3, s8, $0xb8;
	[tilespmem:$0x19400] =	vst v63  }
.Ltmp2:
0x1f: {  	_ = 	snop;
	(pc) =	sbr.rel .LBB2_2-.Ltmp2, $4  }
0x20: {  	_ = 	snop  }
0x21: {  	[tilespmem:s10], [sflag:$0x2] =	stream.indirect.gather [hbm4b:s2+s8], $0x80, s8, s8, $0xb8;
	[tilespmem:$0x19400] =	vst v63  }
0x22: {  	s26 =	simm.s32 $0x180;
	s28 =	smov.u32 s6;
	s29 =	simm.s32 $0x0  }
0x23: {  	[tilespmem:s12], [sflag:$0x3] =	stream.indirect.gather [hbm4b:s2+s8], $0x80, s11, s8, $0xb8;
	[tilespmem:$0x19400] =	vst v63  }
.LBB2_13:
0x24: {  	_ =	swait.ge [sflag:s20], $0x4000  }
0x25: {  	[sflag:s20] =	ssyncset.done $0x0  }
0x26: {  	[sflag:s20] =	ssyncadd.s32 $0xFFFFC000  }
0x27: {  	[hbm4b:s28+s3] =	stream.linear.scatter [tilespmem:s12], [sflag:$0x9], $0x4000, $0x38;
	[tilespmem:$0x19400] =	vst v63  }
.LBB2_17:
0x28: {  	s29 =	sadd.s32 $0x1, s29  }
0x29: {  	p0 =	sne.s32 s29, $0x28  }
.Ltmp3:
0x2a: {  	_ = 	snop;
	(pc) =	sbr.rel @!p0 .LBB2_18-.Ltmp3, $2  }
0x2b: {  	_ =	sdelay $0x2  }
0x2c: {  	s28 =	sadd.s32 $0x800, s28;
	s26 =	sadd.s32 $0x80, s26  }
.LBB2_2:
0x2d: {  	p0 =	slt.u32 s29, $0x3  }
.Ltmp4:
0x2e: {  	_ = 	snop;
	(pc) =	sbr.rel @p0 .LBB2_4-.Ltmp4, $1  }
0x2f: {  	_ =	sdelay $0x3  }
0x30: {  	s30 =	sadd.s32 $0xFFFFFFFD, s29  }
0x31: {  	s31 =	sand.u32 $0xFF, s30  }
0x32: {  	s31 =	smul.u32 $0xAB, s31;
	_ =	sdelay $0x1  }
0x33: {  	s31 =	sshrl.u32 s31, $0xA  }
0x34: {  	s31 =	smul.u32 $0x6, s31;
	_ =	sdelay $0x1  }
0x35: {  	s30 =	ssub.s32 s30, s31  }
0x36: {  	s30 =	sand.u32 $0xFF, s30  }
0x37: {  	p0 =	sgt.s32 s30, $0x2  }
0x38: {  	p2 =	seq.s32 @p0 s30, $0x3;
	p1 =	seq.s32 @!p0 s30, $0x0  }
0x39: {  	p3 =	por p2, !p0;
	p4 =	por p1, p0  }
0x3a: {  	p3 =	seq.s32 @!p3 s30, $0x4;
	p4 =	seq.s32 @!p4 s30, $0x1  }
0x3b: {  	p5 =	por @p0 p3, p2;
	p6 =	por @!p0 p4, p1  }
0x3c: {  	p3 =	por @p0 !p3, p2;
	p4 =	por @!p0 !p4, p1;
	p5 =	por p5, !p0  }
0x3d: {  	p2 =	por !p2, !p0;
	s31 =	simm.s32 @!p5 $0xC;
	p5 =	por p6, p0  }
0x3e: {  	p3 =	por !p3, !p0;
	p4 =	por !p4, p0;
	s30 =	simm.s32 @!p5 $0x9  }
0x3f: {  	p1 =	por !p1, p0;
	s31 =	simm.s32 @p3 $0xB;
	s30 =	simm.s32 @p4 $0x8  }
0x40: {  	s31 =	simm.s32 @!p2 $0xA;
	s30 =	simm.s32 @!p1 $0x7  }
0x41: {  	s30 =	smov.u32 @p0 s31;
	p0 =	sgt.u32 s29, $0x24  }
.Ltmp5:
0x42: {  	_ = 	snop;
	(pc) =	sbr.rel @p0 .LBB2_5-.Ltmp5, $4  }
0x43: {  	_ = 	snop  }
0x44: {  	_ =	swait.ge [sflag:s30], $0x4000  }
0x45: {  	[sflag:s30] =	ssyncset.done $0x0  }
0x46: {  	[sflag:s30] =	ssyncadd.s32 $0xFFFFC000  }
.LBB2_4:
0x47: {  	s30 =	sadd.s32 $0x3, s29  }
0x48: {  	s31 =	smul.u32 $0xAB, s30;
	_ =	sdelay $0x1  }
0x49: {  	s31 =	sshrl.u32 s31, $0xA  }
0x4a: {  	s31 =	sand.u32 $0x3F, s31  }
0x4b: {  	s31 =	smul.u32 $0x6, s31;
	_ =	sdelay $0x1  }
0x4c: {  	s30 =	ssub.s32 s30, s31  }
0x4d: {  	s30 =	sand.u32 $0xFF, s30  }
0x4e: {  	p0 =	sgt.s32 s30, $0x2  }
0x4f: {  	p1 =	seq.s32 @p0 s30, $0x3  }
0x50: {  	p2 =	por !p1, !p0  }
0x51: {  	s31 =	simm.s32 @!p2 $0x80;
	s0 =	simm.s32 @!p2 $0xD400  }
0x52: {  	[tilespmem:s0], [sflag:$0x4] =	stream.indirect.gather @!p2 [hbm4b:s2+s31], $0x80, s26, s31, $0xb8;
	[tilespmem:$0x19400] =	vst v63  }
0x53: {  	p2 =	por p1, !p0  }
0x54: {  	p2 =	seq.s32 @!p2 s30, $0x4  }
0x55: {  	p3 =	por @p0 !p2, p1  }
0x56: {  	p1 =	por @p0 p2, p1;
	p3 =	por p3, !p0  }
0x57: {  	p1 =	por p1, !p0;
	s0 =	simm.s32 @!p3 $0x80;
	s31 =	simm.s32 @!p3 $0x11400  }
0x58: {  	[tilespmem:s31], [sflag:$0x5] =	stream.indirect.gather @!p3 [hbm4b:s2+s0], $0x80, s26, s0, $0xb8;
	[tilespmem:$0x19400] =	vst v63  }
0x59: {  	s0 =	simm.s32 @!p1 $0x80;
	s31 =	simm.s32 @!p1 $0x15400  }
0x5a: {  	[tilespmem:s31], [sflag:$0x6] =	stream.indirect.gather @!p1 [hbm4b:s2+s0], $0x80, s26, s0, $0xb8;
	[tilespmem:$0x19400] =	vst v63  }
0x5b: {  	p1 =	seq.s32 @!p0 s30, $0x0  }
0x5c: {  	p2 =	por !p1, p0  }
0x5d: {  	s0 =	simm.s32 @!p2 $0x80;
	s31 =	simm.s32 @!p2 $0x1400  }
0x5e: {  	[tilespmem:s31], [sflag:$0x1] =	stream.indirect.gather @!p2 [hbm4b:s2+s0], $0x80, s26, s0, $0xb8;
	[tilespmem:$0x19400] =	vst v63  }
0x5f: {  	p2 =	por p1, p0  }
0x60: {  	p2 =	seq.s32 @!p2 s30, $0x1  }
0x61: {  	p3 =	por @!p0 !p2, p1  }
0x62: {  	p1 =	por @!p0 p2, p1;
	p3 =	por p3, p0  }
0x63: {  	p0 =	por p1, p0;
	s0 =	simm.s32 @!p3 $0x80;
	s30 =	simm.s32 @!p3 $0x5400  }
0x64: {  	[tilespmem:s30], [sflag:$0x2] =	stream.indirect.gather @!p3 [hbm4b:s2+s0], $0x80, s26, s0, $0xb8;
	[tilespmem:$0x19400] =	vst v63  }
0x65: {  	s0 =	simm.s32 @!p0 $0x80;
	s30 =	simm.s32 @!p0 $0x9400  }
0x66: {  	[tilespmem:s30], [sflag:$0x3] =	stream.indirect.gather @!p0 [hbm4b:s2+s0], $0x80, s26, s0, $0xb8;
	[tilespmem:$0x19400] =	vst v63  }
.LBB2_5:
0x67: {  	s0 =	smul.u32 $0xAB, s29;
	_ =	sdelay $0x1  }
0x68: {  	s0 =	sshrl.u32 s0, $0xA  }
0x69: {  	s0 =	sand.u32 $0x3F, s0  }
0x6a: {  	s0 =	smul.u32 $0x6, s0;
	_ =	sdelay $0x1  }
0x6b: {  	s0 =	ssub.s32 s29, s0  }
0x6c: {  	s30 =	sand.u32 $0xFF, s0  }
0x6d: {  	p0 =	sgt.s32 s30, $0x1  }
.Ltmp6:
0x6e: {  	_ = 	snop;
	(pc) =	sbr.rel @!p0 .LBB2_6-.Ltmp6, $1  }
0x6f: {  	_ =	sdelay $0x3  }
0x70: {  	p0 =	seq.s32 s30, $0x2  }
.Ltmp7:
0x71: {  	_ = 	snop;
	(pc) =	sbr.rel @p0 .LBB2_13-.Ltmp7, $1  }
0x72: {  	_ =	sdelay $0x3  }
0x73: {  	p0 =	seq.s32 s30, $0x3  }
.Ltmp8:
0x74: {  	_ = 	snop;
	(pc) =	sbr.rel @p0 .LBB2_14-.Ltmp8, $1  }
0x75: {  	_ =	sdelay $0x3  }
0x76: {  	p0 =	seq.s32 s30, $0x4  }
.Ltmp9:
0x77: {  	_ = 	snop;
	(pc) =	sbr.rel @!p0 .LBB2_16-.Ltmp9, $1  }
0x78: {  	_ =	sdelay $0x3  }
.Ltmp10:
0x79: {  	(pc) =	sbr.rel .LBB2_17-.Ltmp10, $4  }
0x7a: {  	_ =	swait.ge [sflag:s23], $0x4000  }
0x7b: {  	[sflag:s23] =	ssyncset.done $0x0  }
0x7c: {  	[sflag:s23] =	ssyncadd.s32 $0xFFFFC000  }
0x7d: {  	[hbm4b:s28+s3] =	stream.linear.scatter [tilespmem:s24], [sflag:$0xB], $0x4000, $0x38;
	[tilespmem:$0x19400] =	vst v63  }
.LBB2_6:
0x7e: {  	p0 =	seq.s32 s30, $0x0  }
.Ltmp11:
0x7f: {  	_ = 	snop;
	(pc) =	sbr.rel @p0 .LBB2_15-.Ltmp11, $1  }
0x80: {  	_ =	sdelay $0x3  }
0x81: {  	p0 =	seq.s32 s30, $0x1  }
.Ltmp12:
0x82: {  	_ = 	snop;
	(pc) =	sbr.rel @!p0 .LBB2_16-.Ltmp12, $1  }
0x83: {  	_ =	sdelay $0x3  }
.Ltmp13:
0x84: {  	(pc) =	sbr.rel .LBB2_17-.Ltmp13, $4  }
0x85: {  	_ =	swait.ge [sflag:s14], $0x4000  }
0x86: {  	[sflag:s14] =	ssyncset.done $0x0  }
0x87: {  	[sflag:s14] =	ssyncadd.s32 $0xFFFFC000  }
0x88: {  	[hbm4b:s28+s3] =	stream.linear.scatter [tilespmem:s10], [sflag:$0x8], $0x4000, $0x38;
	[tilespmem:$0x19400] =	vst v63  }
.LBB2_14:
.Ltmp14:
0x89: {  	(pc) =	sbr.rel .LBB2_17-.Ltmp14, $4  }
0x8a: {  	_ =	swait.ge [sflag:s21], $0x4000  }
0x8b: {  	[sflag:s21] =	ssyncset.done $0x0  }
0x8c: {  	[sflag:s21] =	ssyncadd.s32 $0xFFFFC000  }
0x8d: {  	[hbm4b:s28+s3] =	stream.linear.scatter [tilespmem:s22], [sflag:$0xA], $0x4000, $0x38;
	[tilespmem:$0x19400] =	vst v63  }
.LBB2_15:
.Ltmp15:
0x8e: {  	(pc) =	sbr.rel .LBB2_17-.Ltmp15, $4  }
0x8f: {  	_ =	swait.ge [sflag:s13], $0x4000  }
0x90: {  	[sflag:s13] =	ssyncset.done $0x0  }
0x91: {  	[sflag:s13] =	ssyncadd.s32 $0xFFFFC000  }
0x92: {  	[hbm4b:s28+s3] =	stream.linear.scatter [tilespmem:s9], [sflag:$0x7], $0x4000, $0x38;
	[tilespmem:$0x19400] =	vst v63  }
.LBB2_16:
.Ltmp16:
0x93: {  	(pc) =	sbr.rel .LBB2_17-.Ltmp16, $4  }
0x94: {  	_ =	swait.ge [sflag:s18], $0x4000  }
0x95: {  	[sflag:s18] =	ssyncset.done $0x0  }
0x96: {  	[sflag:s18] =	ssyncadd.s32 $0xFFFFC000  }
0x97: {  	[hbm4b:s28+s3] =	stream.linear.scatter [tilespmem:s19], [sflag:$0xC], $0x4000, $0x38;
	[tilespmem:$0x19400] =	vst v63  }
.LBB2_19:
0x98: {  	_ =	sfence.sel $0x180000  }
0x99: {  	[bflag:$0x0] =	sbarrier.arrive $0xFFFF  }
0x9a: {  	_ =	strace $0x9000004A  }
0x9b: {  	[bflag:$0x2] =	sbarrier.arrive $0xFFFF  }
0x9c: {  	p0 =	sne.s32 s1, $0x0;
	s0 =	rddreg [dreg:$0x3]  }
0x9d: {  	s0 =	sadd.s32 @!p0 $0x100000, s0  }
0x9e: {  	[sflag:s0] =	ssyncadd.tile.s32 @!p0 $0x1;
	_ =	shalt  }
.Lfunc_end2:
_tile_overlayer_lowered:
.L_overlay_start_2:
0x9f: {  	(tag) =	ssettag $0x2  }
0xa0: {  	s0 =	rddreg [dreg:$0x0];
	s2 =	stileid.u32  }
0xa1: {  	s1 =	rddreg [dreg:$0x1];
	p0 =	sne.s32 s2, $0x0  }
0xa2: {  	s3 =	rddreg [dreg:$0x2];
	[bflag:$0x3] =	sbarrier.arrive $0xFFFF;
	s2 =	simm.s32 @!p0 $0x1C0D  }
0xa3: {  	[timem:s3], [sflag:s2] =	dma.local @!p0 [hbm:s0], s1  }
0xa4: {  	s0 =	simm.s32 @!p0 $0xD  }
0xa5: {  	_ =	swait.ge @!p0 [sflag:s0], s1  }
0xa6: {  	s1 =	ssub.s32 @!p0 $0x0, s1;
	[sflag:s0] =	ssyncset.done @!p0 $0x0  }
0xa7: {  	[sflag:s0] =	ssyncadd.s32 @!p0 s1  }
0xa8: {  	[bflag:$0x3] =	sbarrier.arrive $0xFFFF  }
0xa9: {  	_ =	shalt  }

// kernel: kernel.9.cloned.1.call-start
scs
__scs_entry_jumppad:
0x0: {  	(pc) =	sbr.rel $0x88, $3  }
0x1: {  	(tag) =	ssettag $0x0;
	lr =	simm.s32 $0x1  }
0x2: {  	[smem:$0x3F9A] =	sst lr;
	_ =	strace $0xD0000000  }
0x3: {  	_ = 	snop  }
0x4: {  	_ = 	snop  }
0x5: {  	_ = 	snop  }
0x6: {  	_ = 	snop  }
0x7: {  	_ = 	snop  }
__scs_overlays_trampoline_lowered:
0x8: {  	[smem:$0x3FA9] =	sst s0  }
0x9: {  	[smem:$0x3FAA] =	sst s1  }
0xa: {  	[smem:$0x3FAB] =	sst s2  }
0xb: {  	[smem:$0x3FAC] =	sst s3  }
0xc: {  	[smem:$0x3FAD] =	sst s4  }
0xd: {  	[smem:$0x3FAE] =	sst s5  }
0xe: {  	[smem:$0x3FAF] =	sst s6  }
0xf: {  	[smem:$0x3FB0] =	sst s7  }
0x10: {  	[smem:$0x3FB1] =	sst s8  }
0x11: {  	[smem:$0x3FB2] =	sst s9;
	s0 =	simm.s32 @!p0 $0x0  }
0x12: {  	s1 =	sld [smem:$0x3F98];
	s0 =	simm.s32 @p0 $0x1  }
0x13: {  	[smem:$0x3FB3] =	sst s0;
	s0 =	simm.s32 @!p1 $0x0  }
0x14: {  	s2 =	sld [smem:$0x3F97];
	s0 =	simm.s32 @p1 $0x1  }
0x15: {  	[smem:$0x3FB4] =	sst s0;
	s0 =	simm.s32 @!p2 $0x0  }
0x16: {  	s3 =	sld [smem:$0x3FDB];
	s0 =	simm.s32 @p2 $0x1  }
0x17: {  	s4 =	simm.s32 $0x1BF5;
	[smem:$0x3FB6] =	sst s0  }
0x18: {  	s0 =	sld [smem:$0x3F99];
	_ =	swait.ge [sflag:s4], $0x0  }
0x19: {  	s7 =	sld [smem:$0x3F9A]  }
0x1a: {  	s8 =	sadd.s32 $0xFFFFE003, lr  }
0x1b: {  	s9 =	sadd.s32 $0xFFFFFEF7, lr;
	s5 =	simm.s32 $0xFFFFFFFF;
	p2 =	slt.u32 s8, $0xFFFFF086  }
0x1c: {  	p1 =	slt.u32 s9, $0xF7A;
	s5 =	simm.s32 @!p2 $0x0  }
0x1d: {  	s5 =	simm.s32 @p1 $0x1;
	p0 =	seq.s32 s7, s2  }
0x1e: {  	s7 =	smul.u32 @!p0 $0xF7A, s2;
	p2 =	seq.s32 @!p0 s5, $0x0  }
0x1f: {  	s9 =	smul.u32 $0xF7A, s1;
	s8 =	simm.s32 @!p0 $0x1BF5;
	p2 =	por !p2, p0  }
0x20: {  	[sflag:s8] =	ssyncset.s32 @!p0 $0xFFFFF086;
	s6 =	sadd.s32 @!p0 s3, s7;
	s7 =	simm.s32 @!p0 $0x108  }
0x21: {  	s3 =	sadd.s32 s3, s9;
	s6 =	sadd.s32 @!p0 $0x88, s6;
	s7 =	simm.s32 @p2 $0x1082  }
0x22: {  	[simem:s7], [sflag:s8] =	dma.local @!p0 [hbm:s6], $0xF7A  }
0x23: {  	s9 =	sor.u32 $0xD0000000, s2;
	s6 =	simm.s32 $0x108;
	_ =	swait.ge @!p0 [sflag:s8], $0x0  }
0x24: {  	s3 =	sadd.s32 $0x88, s3;
	s6 =	simm.s32 @!p1 $0x1082;
	[sflag:s4] =	ssyncset.s32 $0xFFFFF086  }
0x25: {  	[simem:s6], [sflag:s4] =	dma.local [hbm:s3], $0xF7A  }
0x26: {  	[smem:$0x3F9A] =	sst s1;
	(tag) =	ssettag s2;
	_ =	strace s9  }
0x27: {  	s1 =	sld [smem:$0x3FAA]  }
0x28: {  	s2 =	sld [smem:$0x3FAB]  }
0x29: {  	s4 =	sld [smem:$0x3FAD]  }
0x2a: {  	p0 =	seq.s32 s5, $0x0;
	s5 =	sld [smem:$0x3FAE]  }
0x2b: {  	s6 =	sld [smem:$0x3FAF]  }
0x2c: {  	s7 =	sld [smem:$0x3FB0]  }
0x2d: {  	s3 =	simm.s32 $0x108;
	s8 =	sld [smem:$0x3FB1]  }
0x2e: {  	s3 =	simm.s32 @!p0 $0x1082;
	s9 =	sld [smem:$0x3FB2]  }
0x2f: {  	lr =	sadd.s32 s0, s3;
	s0 =	sld [smem:$0x3FA9]  }
0x30: {  	s3 =	sld [smem:$0x3FAC]  }
0x31: {  	[smem:$0x3FB5] =	sst s10  }
0x32: {  	s10 =	sld [smem:$0x3FB3];
	_ =	sdelay $0x3  }
0x33: {  	p0 =	seq.s32 s10, $0x1;
	s10 =	sld [smem:$0x3FB5];
	_ =	sdelay $0x3  }
0x34: {  	[smem:$0x3FB5] =	sst s10  }
0x35: {  	s10 =	sld [smem:$0x3FB4];
	_ =	sdelay $0x3  }
0x36: {  	p1 =	seq.s32 s10, $0x1;
	s10 =	sld [smem:$0x3FB5];
	_ =	sdelay $0x3  }
0x37: {  	[smem:$0x3FB5] =	sst s10  }
0x38: {  	s10 =	sld [smem:$0x3FB6]  }
0x39: {  	_ = 	snop;
	(pc) =	sbr.ind lr, $3  }
0x3a: {  	_ = 	snop  }
0x3b: {  	_ = 	snop  }
0x3c: {  	p2 =	seq.s32 s10, $0x1;
	s10 =	sld [smem:$0x3FB5]  }
0x3d: {  	_ =	shalt  }
0x3e: {  	_ =	shalt  }
0x3f: {  	_ =	shalt  }
0x40: {  	_ =	shalt  }
0x41: {  	_ =	shalt  }
0x42: {  	_ =	shalt  }
0x43: {  	_ =	shalt  }
0x44: {  	_ =	shalt  }
0x45: {  	_ =	shalt  }
0x46: {  	_ =	shalt  }
0x47: {  	_ =	shalt  }
0x48: {  	_ =	shalt  }
0x49: {  	_ =	shalt  }
0x4a: {  	_ =	shalt  }
0x4b: {  	_ =	shalt  }
0x4c: {  	_ =	shalt  }
0x4d: {  	_ =	shalt  }
0x4e: {  	_ =	shalt  }
0x4f: {  	_ =	shalt  }
0x50: {  	_ =	shalt  }
0x51: {  	_ =	shalt  }
0x52: {  	_ =	shalt  }
0x53: {  	_ =	shalt  }
0x54: {  	_ =	shalt  }
0x55: {  	_ =	shalt  }
0x56: {  	_ =	shalt  }
0x57: {  	_ =	shalt  }
0x58: {  	_ =	shalt  }
0x59: {  	_ =	shalt  }
0x5a: {  	_ =	shalt  }
0x5b: {  	_ =	shalt  }
0x5c: {  	_ =	shalt  }
0x5d: {  	_ =	shalt  }
0x5e: {  	_ =	shalt  }
0x5f: {  	_ =	shalt  }
0x60: {  	_ =	shalt  }
0x61: {  	_ =	shalt  }
0x62: {  	_ =	shalt  }
0x63: {  	_ =	shalt  }
0x64: {  	_ =	shalt  }
0x65: {  	_ =	shalt  }
0x66: {  	_ =	shalt  }
0x67: {  	_ =	shalt  }
0x68: {  	_ =	shalt  }
0x69: {  	_ =	shalt  }
0x6a: {  	_ =	shalt  }
0x6b: {  	_ =	shalt  }
0x6c: {  	_ =	shalt  }
0x6d: {  	_ =	shalt  }
0x6e: {  	_ =	shalt  }
0x6f: {  	_ =	shalt  }
0x70: {  	_ =	shalt  }
0x71: {  	_ =	shalt  }
0x72: {  	_ =	shalt  }
0x73: {  	_ =	shalt  }
0x74: {  	_ =	shalt  }
0x75: {  	_ =	shalt  }
0x76: {  	_ =	shalt  }
0x77: {  	_ =	shalt  }
0x78: {  	_ =	shalt  }
0x79: {  	_ =	shalt  }
0x7a: {  	_ =	shalt  }
0x7b: {  	_ =	shalt  }
0x7c: {  	_ =	shalt  }
0x7d: {  	_ =	shalt  }
0x7e: {  	_ =	shalt  }
0x7f: {  	_ =	shalt  }
0x80: {  	_ =	shalt  }
0x81: {  	_ =	shalt  }
0x82: {  	_ =	shalt  }
0x83: {  	_ =	shalt  }
0x84: {  	_ =	shalt  }
0x85: {  	_ =	shalt  }
0x86: {  	_ =	shalt  }
0x87: {  	_ =	shalt  }
.Lfunc_end0:
.L_simem_size_0:
called_computation.2_lowered:
.L_overlay_start_0:
0x88: {  	s2 =	sld [smem:$0x3FD9]  }
0x89: {  	s3 =	sld [smem:$0x3FFE];
	_ =	sdelay $0x1  }
0x8a: {  	s1 =	srdreg.scid  }
0x8b: {  	s0 =	sand.u32 $0x1, s1  }
0x8c: {  	s16 =	sshll.u32 s0, $0xA;
	s2 =	sadd.s32 s3, s2  }
0x8d: {  	s2 =	sadd.s32 s2, s16  }
0x8e: {  	[smem:$0x3FC1] =	sst s2  }
0x8f: {  	_ = 	snop  }
0x90: {  	(tm) =	ssettm $0x1  }
0x91: {  	s17 =	sld [smem:$0x3FFB];
	_ =	sdelay $0x3  }
0x92: {  	_ =	strace s17  }
0x93: {  	s2 =	sld [smem:$0x3FFC];
	_ =	sdelay $0x3  }
0x94: {  	_ =	strace s2  }
0x95: {  	s2 =	sld [smem:$0x3FFD];
	_ =	sdelay $0x3  }
0x96: {  	_ =	strace s2  }
0x97: {  	_ =	strace $0x8FFFFFFF  }
0x98: {  	s18 =	sld [smem:$0x3FDB];
	_ =	sdelay $0x1  }
0x99: {  	s19 =	simm.s32 $_scs_section_size  }
0x9a: {  	s4 =	simm.s32 $_size__tile_overlayer_lowered;
	s5 =	simm.s32 $_tile_overlayer_lowered  }
0x9b: {  	s22 =	simm.s32 $0x1BFF;
	s21 =	sshll.u32 s5, $0x1;
	s2 =	sadd.s32 s19, s18  }
0x9c: {  	s6 =	simm.s32 $0x0;
	s20 =	sshll.u32 s4, $0x1;
	s4 =	sadd.s32 s21, s2  }
0x9d: {  	[timem:s6], [sflag:s22] =	dma.local [hbm:s4], s20  }
0x9e: {  	_ =	swait.ge [sflag:s22], s20  }
0x9f: {  	s3 =	ssub.s32 $0x0, s20;
	[sflag:s22] =	ssyncset.done $0x0  }
0xa0: {  	[sflag:s22] =	ssyncadd.s32 s3;
	_ =	sdelay $0x1  }
0xa1: {  	s23 =	simm.s32 $0x1B8B  }
0xa2: {  	_ =	swait.ge [sflag:s23], $0x1  }
0xa3: {  	[sflag:s23] =	ssyncset.done $0x0  }
0xa4: {  	s25 =	simm.s32 $0x1B8E;
	s24 =	sld [smem:$0x3FFE];
	[sflag:s23] =	ssyncadd.s32 $0xFFFFFFFF  }
0xa5: {  	s26 =	simm.s32 $execute0_lowered;
	[smem:$0x3FD2] =	sst s25  }
0xa6: {  	s4 =	sshll.u32 s26, $0x1;
	_ =	strace $0x8000004C;
	[dreg:$0x1] =	wrdreg $0xFFFFFFFF  }
0xa7: {  	s28 =	simm.s32 $_size_execute0_lowered;
	s2 =	sadd.s32 s2, s4;
	[dreg:$0x0] =	wrdreg $0x0  }
0xa8: {  	s4 =	sshll.u32 s28, $0x1;
	[dreg:$0x2] =	wrdreg s2  }
0xa9: {  	[dreg:$0x3] =	wrdreg s4  }
0xaa: {  	[dreg:$0x4] =	wrdreg $0xC0  }
0xab: {  	_ =	task [dreg:s6], $0x5FFFF  }
0xac: {  	[dreg:$0x1] =	wrdreg $0xFFFFFFFF  }
0xad: {  	[dreg:$0x0] =	wrdreg $0x60  }
0xae: {  	[dreg:$0x2] =	wrdreg s24  }
0xaf: {  	[dreg:$0x3] =	wrdreg $0x9  }
0xb0: {  	_ =	task.clear_ibuf [dreg:s6], $0x4FFFF;
	_ =	strace $0x9000004C  }
0xb1: {  	s29 =	simm.s32 $0x9;
	_ =	strace $0x8000004E  }
0xb2: {  	_ =	swait.ge [sflag:s29], $0x1  }
0xb3: {  	[sflag:s29] =	ssyncadd.s32 $0xFFFFFFFF  }
0xb4: {  	_ =	strace $0x9000004E  }
0xb5: {  	_ =	sfence  }
0xb6: {  	s30 =	sld [smem:$0x0];
	_ =	sdelay $0x2  }
0xb7: {  	s31 =	sshll.u32 s1, $0xD;
	s1 =	sshrl.u32 s1, $0x2  }
0xb8: {  	s3 =	sand.u32 $0x4000, s31;
	s1 =	sadd.s32 s1, s30  }
0xb9: {  	s0 =	sor.u32 s3, s0;
	s1 =	sshll.u32 s1, $0x11  }
0xba: {  	s0 =	sor.u32 s1, s0  }
0xbb: {  	s0 =	sadd.s32 $0x8F2B, s0  }
0xbc: {  	[sflag:s0] =	ssyncadd.remote.s32 $0x1  }
0xbd: {  	_ =	sfence.sel $0xFFFF  }
0xbe: {  	[dreg:$0x0] =	wrdreg $0xFFFFFFFF;
	(pc) =	sbr.abs _section_cstart, $3  }
0xbf: {  	[dreg:$0x1] =	wrdreg $0xFFFFFFFF  }
0xc0: {  	_ =	task.clear_ibuf [dreg:s6], $0x2FFFF;
	_ =	strace $0x9FFFFFFF  }
0xc1: {  	(tm) =	ssettm $0x7FFFFFFF  }
tec
execute0_lowered:
.L_overlay_start_1:
0x0: {  	(tag) =	ssettag $0x1  }
0x1: {  	s1 =	srdreg.scid;
	s0 =	stileid.u32  }
0x2: {  	s11 =	sand.u32 $0x1, s1;
	s3 =	sshll.u32 s0, $0x1  }
0x3: {  	s7 =	rddreg [dreg:$0x0];
	s2 =	simm.s32 $0x0;
	s8 =	sor.u32 s11, s3  }
0x4: {  	s4 =	simm.s32 $0x2;
	[smem:$0x7FF] =	sst s2;
	s3 =	sshll.u32 s8, $0x6  }
0x5: {  	s1 =	rddreg [dreg:$0x1];
	_ =	strace $0x8000004D;
	s3 =	sadd.s32 s7, s3  }
0x6: {  	[tilespmem:s2], [sflag:$0x2] =	stream.linear.gather [hbm4b:s3+s2], $0x180, $0x38;
	[tilespmem:$0x4200] =	vst v63  }
0x7: {  	s5 =	smul.u32 $0x1800, s8;
	_ =	swait.ge [sflag:s4], $0x180  }
0x8: {  	s10 =	sadd.s32 $0x800, s7;
	[sflag:s4] =	ssyncset.done $0x0  }
0x9: {  	s6 =	simm.s32 $0x200;
	s5 =	sadd.s32 s10, s5;
	[sflag:s4] =	ssyncadd.s32 $0xFFFFFE80  }
0xa: {  	[tilespmem:s6], [sflag:$0x2] =	stream.linear.gather [hbm4b:s5+s2], $0x4000, $0x38;
	[tilespmem:$0x4200] =	vst v63  }
0xb: {  	_ =	swait.ge [sflag:s4], $0x4000  }
0xc: {  	s9 =	simm.s32 $0x80;
	s12 =	smul.u32 $0xC000, s8;
	[sflag:s4] =	ssyncset.done $0x0  }
0xd: {  	s8 =	simm.s32 $0x1;
	s7 =	sadd.s32 $0x30800, s7;
	[sflag:s4] =	ssyncadd.s32 $0xFFFFC000  }
0xe: {  	[hbm4b:s7+s9] =	stream.indirect.scatter [tilespmem:s6], [sflag:$0x1], $0x80, s2, s9, $0xb8;
	[tilespmem:$0x4200] =	vst v63  }
0xf: {  	s12 =	sshrl.u32 s12, $0x3;
	_ =	swait.ge [sflag:s8], $0x4000  }
0x10: {  	s12 =	sadd.s32 s10, s12;
	[sflag:s8] =	ssyncset.done $0x0  }
0x11: {  	s10 =	sadd.s32 $0x800, s12;
	[sflag:s8] =	ssyncadd.s32 $0xFFFFC000  }
0x12: {  	[tilespmem:s6], [sflag:$0x2] =	stream.linear.gather [hbm4b:s10+s2], $0x4000, $0x38;
	[tilespmem:$0x4200] =	vst v63  }
0x13: {  	_ =	swait.ge [sflag:s4], $0x4000  }
0x14: {  	[sflag:s4] =	ssyncset.done $0x0  }
0x15: {  	s13 =	ssub.s32 $0x2, s11;
	[sflag:s4] =	ssyncadd.s32 $0xFFFFC000  }
0x16: {  	[hbm4b:s7+s9] =	stream.indirect.scatter [tilespmem:s6], [sflag:$0x1], $0x80, s9, s9, $0xb8;
	[tilespmem:$0x4200] =	vst v63  }
0x17: {  	s31 =	sshrl.u32 s13, $0x1;
	_ =	swait.ge [sflag:s8], $0x4000  }
0x18: {  	s11 =	sadd.s32 $0x1000, s12;
	s12 =	ssub.s32 s13, s31;
	[sflag:s8] =	ssyncset.done $0x0  }
0x19: {  	s13 =	smax.u32 s12, $0x1;
	[sflag:s8] =	ssyncadd.s32 $0xFFFFC000  }
0x1a: {  	[tilespmem:s6], [sflag:$0x2] =	stream.linear.gather [hbm4b:s11+s2], $0x4000, $0x38;
	[tilespmem:$0x4200] =	vst v63  }
0x1b: {  	p0 =	sne.s32 s13, $0x1;
	_ =	swait.ge [sflag:s4], $0x4000  }
.Ltmp0:
0x1c: {  	[sflag:s4] =	ssyncset.done $0x0;
	(pc) =	sbr.rel @!p0 .LBB2_2-.Ltmp0, $4  }
0x1d: {  	s12 =	simm.s32 $0x100;
	[sflag:s4] =	ssyncadd.s32 $0xFFFFC000  }
0x1e: {  	[hbm4b:s7+s9] =	stream.indirect.scatter [tilespmem:s6], [sflag:$0x1], $0x80, s12, s9, $0xb8;
	[tilespmem:$0x4200] =	vst v63  }
0x1f: {  	_ =	swait.ge [sflag:s8], $0x4000  }
0x20: {  	s13 =	sadd.s32 $0xFFFFFFFF, s13;
	[sflag:s8] =	ssyncset.done $0x0  }
.LBB2_1:
0x21: {  	p0 =	sne.s32 s13, $0x1;
	s13 =	sadd.s32 $0xFFFFFFFF, s13;
	[sflag:s8] =	ssyncadd.s32 $0xFFFFC000  }
0x22: {  	[tilespmem:s2], [sflag:$0x2] =	stream.linear.gather [hbm4b:s3+s2], $0x180, $0x38;
	[tilespmem:$0x4200] =	vst v63  }
0x23: {  	_ =	swait.ge [sflag:s4], $0x180  }
0x24: {  	[sflag:s4] =	ssyncset.done $0x0  }
0x25: {  	[sflag:s4] =	ssyncadd.s32 $0xFFFFFE80  }
0x26: {  	[tilespmem:s6], [sflag:$0x2] =	stream.linear.gather [hbm4b:s5+s2], $0x4000, $0x38;
	[tilespmem:$0x4200] =	vst v63  }
0x27: {  	_ =	swait.ge [sflag:s4], $0x4000  }
0x28: {  	[sflag:s4] =	ssyncset.done $0x0  }
0x29: {  	[sflag:s4] =	ssyncadd.s32 $0xFFFFC000  }
0x2a: {  	[hbm4b:s7+s9] =	stream.indirect.scatter [tilespmem:s6], [sflag:$0x1], $0x80, s2, s9, $0xb8;
	[tilespmem:$0x4200] =	vst v63  }
0x2b: {  	_ =	swait.ge [sflag:s8], $0x4000  }
0x2c: {  	[sflag:s8] =	ssyncset.done $0x0  }
0x2d: {  	[sflag:s8] =	ssyncadd.s32 $0xFFFFC000  }
0x2e: {  	[tilespmem:s6], [sflag:$0x2] =	stream.linear.gather [hbm4b:s10+s2], $0x4000, $0x38;
	[tilespmem:$0x4200] =	vst v63  }
0x2f: {  	_ =	swait.ge [sflag:s4], $0x4000  }
0x30: {  	[sflag:s4] =	ssyncset.done $0x0  }
0x31: {  	[sflag:s4] =	ssyncadd.s32 $0xFFFFC000  }
0x32: {  	[hbm4b:s7+s9] =	stream.indirect.scatter [tilespmem:s6], [sflag:$0x1], $0x80, s9, s9, $0xb8;
	[tilespmem:$0x4200] =	vst v63  }
0x33: {  	_ =	swait.ge [sflag:s8], $0x4000  }
0x34: {  	[sflag:s8] =	ssyncset.done $0x0  }
0x35: {  	[sflag:s8] =	ssyncadd.s32 $0xFFFFC000  }
0x36: {  	[tilespmem:s6], [sflag:$0x2] =	stream.linear.gather [hbm4b:s11+s2], $0x4000, $0x38;
	[tilespmem:$0x4200] =	vst v63  }
0x37: {  	_ =	swait.ge [sflag:s4], $0x4000  }
.Ltmp1:
0x38: {  	[sflag:s4] =	ssyncset.done $0x0;
	(pc) =	sbr.rel @p0 .LBB2_1-.Ltmp1, $4  }
0x39: {  	[sflag:s4] =	ssyncadd.s32 $0xFFFFC000  }
0x3a: {  	[hbm4b:s7+s9] =	stream.indirect.scatter [tilespmem:s6], [sflag:$0x1], $0x80, s12, s9, $0xb8;
	[tilespmem:$0x4200] =	vst v63  }
0x3b: {  	_ =	swait.ge [sflag:s8], $0x4000  }
0x3c: {  	[sflag:s8] =	ssyncset.done $0x0  }
.LBB2_2:
0x3d: {  	[sflag:s8] =	ssyncadd.s32 $0xFFFFC000  }
0x3e: {  	_ =	sfence.sel $0x180000  }
0x3f: {  	[bflag:$0x0] =	sbarrier.arrive $0xFFFF  }
0x40: {  	p0 =	sne.s32 s0, $0x0;
	_ =	strace $0x9000004D  }
0x41: {  	s0 =	sadd.s32 @!p0 $0x100000, s1;
	[bflag:$0x2] =	sbarrier.arrive $0xFFFF  }
0x42: {  	[sflag:s0] =	ssyncadd.tile.s32 @!p0 $0x1;
	_ =	shalt  }
.Lfunc_end2:
_tile_overlayer_lowered:
.L_overlay_start_2:
0x43: {  	(tag) =	ssettag $0x2  }
0x44: {  	s0 =	rddreg [dreg:$0x0];
	s2 =	stileid.u32  }
0x45: {  	s1 =	rddreg [dreg:$0x1];
	p0 =	sne.s32 s2, $0x0  }
0x46: {  	s3 =	rddreg [dreg:$0x2];
	[bflag:$0x3] =	sbarrier.arrive $0xFFFF;
	s2 =	simm.s32 @!p0 $0x1C02  }
0x47: {  	[timem:s3], [sflag:s2] =	dma.local @!p0 [hbm:s0], s1  }
0x48: {  	s0 =	simm.s32 @!p0 $0x2  }
0x49: {  	_ =	swait.ge @!p0 [sflag:s0], s1  }
0x4a: {  	s1 =	ssub.s32 @!p0 $0x0, s1;
	[sflag:s0] =	ssyncset.done @!p0 $0x0  }
0x4b: {  	[sflag:s0] =	ssyncadd.s32 @!p0 s1  }
0x4c: {  	[bflag:$0x3] =	sbarrier.arrive $0xFFFF  }
0x4d: {  	_ =	shalt  }

// kernel: scatter_offload_async_start
scs
__scs_entry_jumppad:
0x0: {  	(pc) =	sbr.rel $0x88, $3  }
0x1: {  	(tag) =	ssettag $0x0;
	lr =	simm.s32 $0x1  }
0x2: {  	[smem:$0x3F9A] =	sst lr;
	_ =	strace $0xD0000000  }
0x3: {  	_ = 	snop  }
0x4: {  	_ = 	snop  }
0x5: {  	_ = 	snop  }
0x6: {  	_ = 	snop  }
0x7: {  	_ = 	snop  }
__scs_overlays_trampoline_lowered:
0x8: {  	[smem:$0x3FA9] =	sst s0  }
0x9: {  	[smem:$0x3FAA] =	sst s1  }
0xa: {  	[smem:$0x3FAB] =	sst s2  }
0xb: {  	[smem:$0x3FAC] =	sst s3  }
0xc: {  	[smem:$0x3FAD] =	sst s4  }
0xd: {  	[smem:$0x3FAE] =	sst s5  }
0xe: {  	[smem:$0x3FAF] =	sst s6  }
0xf: {  	[smem:$0x3FB0] =	sst s7  }
0x10: {  	[smem:$0x3FB1] =	sst s8  }
0x11: {  	[smem:$0x3FB2] =	sst s9;
	s0 =	simm.s32 @!p0 $0x0  }
0x12: {  	s1 =	sld [smem:$0x3F98];
	s0 =	simm.s32 @p0 $0x1  }
0x13: {  	[smem:$0x3FB3] =	sst s0;
	s0 =	simm.s32 @!p1 $0x0  }
0x14: {  	s2 =	sld [smem:$0x3F97];
	s0 =	simm.s32 @p1 $0x1  }
0x15: {  	[smem:$0x3FB4] =	sst s0;
	s0 =	simm.s32 @!p2 $0x0  }
0x16: {  	s3 =	sld [smem:$0x3FDB];
	s0 =	simm.s32 @p2 $0x1  }
0x17: {  	s4 =	simm.s32 $0x1BF5;
	[smem:$0x3FB6] =	sst s0  }
0x18: {  	s0 =	sld [smem:$0x3F99];
	_ =	swait.ge [sflag:s4], $0x0  }
0x19: {  	s7 =	sld [smem:$0x3F9A]  }
0x1a: {  	s8 =	sadd.s32 $0xFFFFE003, lr  }
0x1b: {  	s9 =	sadd.s32 $0xFFFFFEF7, lr;
	s5 =	simm.s32 $0xFFFFFFFF;
	p2 =	slt.u32 s8, $0xFFFFF086  }
0x1c: {  	p1 =	slt.u32 s9, $0xF7A;
	s5 =	simm.s32 @!p2 $0x0  }
0x1d: {  	s5 =	simm.s32 @p1 $0x1;
	p0 =	seq.s32 s7, s2  }
0x1e: {  	s7 =	smul.u32 @!p0 $0xF7A, s2;
	p2 =	seq.s32 @!p0 s5, $0x0  }
0x1f: {  	s9 =	smul.u32 $0xF7A, s1;
	s8 =	simm.s32 @!p0 $0x1BF5;
	p2 =	por !p2, p0  }
0x20: {  	[sflag:s8] =	ssyncset.s32 @!p0 $0xFFFFF086;
	s6 =	sadd.s32 @!p0 s3, s7;
	s7 =	simm.s32 @!p0 $0x108  }
0x21: {  	s3 =	sadd.s32 s3, s9;
	s6 =	sadd.s32 @!p0 $0x88, s6;
	s7 =	simm.s32 @p2 $0x1082  }
0x22: {  	[simem:s7], [sflag:s8] =	dma.local @!p0 [hbm:s6], $0xF7A  }
0x23: {  	s9 =	sor.u32 $0xD0000000, s2;
	s6 =	simm.s32 $0x108;
	_ =	swait.ge @!p0 [sflag:s8], $0x0  }
0x24: {  	s3 =	sadd.s32 $0x88, s3;
	s6 =	simm.s32 @!p1 $0x1082;
	[sflag:s4] =	ssyncset.s32 $0xFFFFF086  }
0x25: {  	[simem:s6], [sflag:s4] =	dma.local [hbm:s3], $0xF7A  }
0x26: {  	[smem:$0x3F9A] =	sst s1;
	(tag) =	ssettag s2;
	_ =	strace s9  }
0x27: {  	s1 =	sld [smem:$0x3FAA]  }
0x28: {  	s2 =	sld [smem:$0x3FAB]  }
0x29: {  	s4 =	sld [smem:$0x3FAD]  }
0x2a: {  	p0 =	seq.s32 s5, $0x0;
	s5 =	sld [smem:$0x3FAE]  }
0x2b: {  	s6 =	sld [smem:$0x3FAF]  }
0x2c: {  	s7 =	sld [smem:$0x3FB0]  }
0x2d: {  	s3 =	simm.s32 $0x108;
	s8 =	sld [smem:$0x3FB1]  }
0x2e: {  	s3 =	simm.s32 @!p0 $0x1082;
	s9 =	sld [smem:$0x3FB2]  }
0x2f: {  	lr =	sadd.s32 s0, s3;
	s0 =	sld [smem:$0x3FA9]  }
0x30: {  	s3 =	sld [smem:$0x3FAC]  }
0x31: {  	[smem:$0x3FB5] =	sst s10  }
0x32: {  	s10 =	sld [smem:$0x3FB3];
	_ =	sdelay $0x3  }
0x33: {  	p0 =	seq.s32 s10, $0x1;
	s10 =	sld [smem:$0x3FB5];
	_ =	sdelay $0x3  }
0x34: {  	[smem:$0x3FB5] =	sst s10  }
0x35: {  	s10 =	sld [smem:$0x3FB4];
	_ =	sdelay $0x3  }
0x36: {  	p1 =	seq.s32 s10, $0x1;
	s10 =	sld [smem:$0x3FB5];
	_ =	sdelay $0x3  }
0x37: {  	[smem:$0x3FB5] =	sst s10  }
0x38: {  	s10 =	sld [smem:$0x3FB6]  }
0x39: {  	_ = 	snop;
	(pc) =	sbr.ind lr, $3  }
0x3a: {  	_ = 	snop  }
0x3b: {  	_ = 	snop  }
0x3c: {  	p2 =	seq.s32 s10, $0x1;
	s10 =	sld [smem:$0x3FB5]  }
0x3d: {  	_ =	shalt  }
0x3e: {  	_ =	shalt  }
0x3f: {  	_ =	shalt  }
0x40: {  	_ =	shalt  }
0x41: {  	_ =	shalt  }
0x42: {  	_ =	shalt  }
0x43: {  	_ =	shalt  }
0x44: {  	_ =	shalt  }
0x45: {  	_ =	shalt  }
0x46: {  	_ =	shalt  }
0x47: {  	_ =	shalt  }
0x48: {  	_ =	shalt  }
0x49: {  	_ =	shalt  }
0x4a: {  	_ =	shalt  }
0x4b: {  	_ =	shalt  }
0x4c: {  	_ =	shalt  }
0x4d: {  	_ =	shalt  }
0x4e: {  	_ =	shalt  }
0x4f: {  	_ =	shalt  }
0x50: {  	_ =	shalt  }
0x51: {  	_ =	shalt  }
0x52: {  	_ =	shalt  }
0x53: {  	_ =	shalt  }
0x54: {  	_ =	shalt  }
0x55: {  	_ =	shalt  }
0x56: {  	_ =	shalt  }
0x57: {  	_ =	shalt  }
0x58: {  	_ =	shalt  }
0x59: {  	_ =	shalt  }
0x5a: {  	_ =	shalt  }
0x5b: {  	_ =	shalt  }
0x5c: {  	_ =	shalt  }
0x5d: {  	_ =	shalt  }
0x5e: {  	_ =	shalt  }
0x5f: {  	_ =	shalt  }
0x60: {  	_ =	shalt  }
0x61: {  	_ =	shalt  }
0x62: {  	_ =	shalt  }
0x63: {  	_ =	shalt  }
0x64: {  	_ =	shalt  }
0x65: {  	_ =	shalt  }
0x66: {  	_ =	shalt  }
0x67: {  	_ =	shalt  }
0x68: {  	_ =	shalt  }
0x69: {  	_ =	shalt  }
0x6a: {  	_ =	shalt  }
0x6b: {  	_ =	shalt  }
0x6c: {  	_ =	shalt  }
0x6d: {  	_ =	shalt  }
0x6e: {  	_ =	shalt  }
0x6f: {  	_ =	shalt  }
0x70: {  	_ =	shalt  }
0x71: {  	_ =	shalt  }
0x72: {  	_ =	shalt  }
0x73: {  	_ =	shalt  }
0x74: {  	_ =	shalt  }
0x75: {  	_ =	shalt  }
0x76: {  	_ =	shalt  }
0x77: {  	_ =	shalt  }
0x78: {  	_ =	shalt  }
0x79: {  	_ =	shalt  }
0x7a: {  	_ =	shalt  }
0x7b: {  	_ =	shalt  }
0x7c: {  	_ =	shalt  }
0x7d: {  	_ =	shalt  }
0x7e: {  	_ =	shalt  }
0x7f: {  	_ =	shalt  }
0x80: {  	_ =	shalt  }
0x81: {  	_ =	shalt  }
0x82: {  	_ =	shalt  }
0x83: {  	_ =	shalt  }
0x84: {  	_ =	shalt  }
0x85: {  	_ =	shalt  }
0x86: {  	_ =	shalt  }
0x87: {  	_ =	shalt  }
.Lfunc_end0:
.L_simem_size_0:
called_computation_lowered:
.L_overlay_start_0:
0x88: {  	s0 =	sld [smem:$0x3FD9]  }
0x89: {  	s1 =	sld [smem:$0x3FFE];
	_ =	sdelay $0x3  }
0x8a: {  	s0 =	sadd.s32 s1, s0  }
0x8b: {  	[smem:$0x3FC1] =	sst s0  }
0x8c: {  	_ = 	snop  }
0x8d: {  	(tm) =	ssettm $0x1  }
0x8e: {  	s15 =	sld [smem:$0x3FFB];
	_ =	sdelay $0x3  }
0x8f: {  	_ =	strace s15  }
0x90: {  	s0 =	sld [smem:$0x3FFC];
	_ =	sdelay $0x3  }
0x91: {  	_ =	strace s0  }
0x92: {  	s0 =	sld [smem:$0x3FFD];
	_ =	sdelay $0x3  }
0x93: {  	_ =	strace s0  }
0x94: {  	_ =	strace $0x8FFFFFFF  }
0x95: {  	s16 =	sld [smem:$0x3FDB];
	_ =	sdelay $0x1  }
0x96: {  	s17 =	simm.s32 $_scs_section_size  }
0x97: {  	s2 =	simm.s32 $_size__tile_overlayer_lowered;
	s3 =	simm.s32 $_tile_overlayer_lowered  }
0x98: {  	s20 =	simm.s32 $0x1BFF;
	s19 =	sshll.u32 s3, $0x1;
	s0 =	sadd.s32 s17, s16  }
0x99: {  	s4 =	simm.s32 $0x0;
	s18 =	sshll.u32 s2, $0x1;
	s2 =	sadd.s32 s19, s0  }
0x9a: {  	[timem:s4], [sflag:s20] =	dma.local [hbm:s2], s18  }
0x9b: {  	_ =	swait.ge [sflag:s20], s18  }
0x9c: {  	s1 =	ssub.s32 $0x0, s18;
	[sflag:s20] =	ssyncset.done $0x0  }
0x9d: {  	[sflag:s20] =	ssyncadd.s32 s1;
	_ =	sdelay $0x1  }
0x9e: {  	s21 =	simm.s32 $0x1B8B  }
0x9f: {  	_ =	swait.ge [sflag:s21], $0x1  }
0xa0: {  	[sflag:s21] =	ssyncset.done $0x0  }
0xa1: {  	s23 =	simm.s32 $0x1B8E;
	s22 =	sld [smem:$0x3FFE];
	[sflag:s21] =	ssyncadd.s32 $0xFFFFFFFF  }
0xa2: {  	s24 =	simm.s32 $execute0_lowered;
	[smem:$0x3FD2] =	sst s23  }
0xa3: {  	s2 =	sshll.u32 s24, $0x1;
	_ =	strace $0x80000046;
	[dreg:$0x1] =	wrdreg $0xFFFFFFFF  }
0xa4: {  	s25 =	simm.s32 $_size_execute0_lowered;
	s0 =	sadd.s32 s0, s2;
	[dreg:$0x0] =	wrdreg $0x0  }
0xa5: {  	s2 =	sshll.u32 s25, $0x1;
	[dreg:$0x2] =	wrdreg s0  }
0xa6: {  	[dreg:$0x3] =	wrdreg s2  }
0xa7: {  	[dreg:$0x4] =	wrdreg $0xC0  }
0xa8: {  	_ =	task [dreg:s4], $0x5FFFF  }
0xa9: {  	[dreg:$0x1] =	wrdreg $0xFFFFFFFF  }
0xaa: {  	[dreg:$0x0] =	wrdreg $0x60  }
0xab: {  	[dreg:$0x2] =	wrdreg s22  }
0xac: {  	[dreg:$0x3] =	wrdreg $0x9  }
0xad: {  	_ =	task.clear_ibuf [dreg:s4], $0x4FFFF;
	_ =	strace $0x90000046  }
0xae: {  	s26 =	simm.s32 $0x9;
	_ =	strace $0x80000048  }
0xaf: {  	_ =	swait.ge [sflag:s26], $0x1  }
0xb0: {  	[sflag:s26] =	ssyncadd.s32 $0xFFFFFFFF  }
0xb1: {  	_ =	strace $0x90000048  }
0xb2: {  	_ =	sfence  }
0xb3: {  	s28 =	sld [smem:$0x0];
	_ =	sdelay $0x1  }
0xb4: {  	s29 =	srdreg.scid  }
0xb5: {  	s30 =	sshll.u32 s29, $0xD;
	s31 =	sshrl.u32 s29, $0x2  }
0xb6: {  	s1 =	sand.u32 $0x1, s29;
	s2 =	sand.u32 $0x4000, s30;
	s0 =	sadd.s32 s31, s28  }
0xb7: {  	s1 =	sor.u32 s2, s1;
	s0 =	sshll.u32 s0, $0x11  }
0xb8: {  	s0 =	sor.u32 s0, s1  }
0xb9: {  	s0 =	sadd.s32 $0x8F2B, s0  }
0xba: {  	[sflag:s0] =	ssyncadd.remote.s32 $0x1  }
0xbb: {  	_ =	sfence.sel $0xFFFF  }
0xbc: {  	[dreg:$0x0] =	wrdreg $0xFFFFFFFF;
	(pc) =	sbr.abs _section_cstart, $3  }
0xbd: {  	[dreg:$0x1] =	wrdreg $0xFFFFFFFF  }
0xbe: {  	_ =	task.clear_ibuf [dreg:s4], $0x2FFFF;
	_ =	strace $0x9FFFFFFF  }
0xbf: {  	(tm) =	ssettm $0x7FFFFFFF  }
tec
execute0_lowered:
.L_overlay_start_1:
0x0: {  	(tag) =	ssettag $0x1  }
0x1: {  	s2 =	rddreg [dreg:$0x0]  }
0x2: {  	s0 =	rddreg [dreg:$0x1]  }
0x3: {  	_ =	strace $0x80000047;
	s4 =	stileid.u32;
	s5 =	simm.s32 $0x3E  }
0x4: {  	s1 =	sadd.s32 $0xA000, s2;
	p0 =	sne.s32 s4, $0x0;
	[sflag:s5] =	ssyncpa.u1 $0x0  }
0x5: {  	s30 =	smin.u32 s4, $0x4;
	s3 =	simm.s32 @!p0 $0x1C3E;
	s6 =	simm.s32 @!p0 $0x0  }
0x6: {  	[spmem:s6], [sflag:s3] =	dma.local @!p0 [hbm:s1], $0x500  }
0x7: {  	s3 =	sadd.s32 s4, s30  }
0x8: {  	p1 =	slt.u32 s4, $0x4;
	s4 =	simm.s32 $0x3E80;
	s3 =	smul.u32 $0x1F40, s3  }
0x9: {  	s4 =	simm.s32 @!p1 $0x1F40  }
0xa: {  	s4 =	sadd.s32 s4, s3  }
0xb: {  	s4 =	smin.u32 s4, $0x27100  }
0xc: {  	s7 =	ssub.s32 s4, s3  }
0xd: {  	p1 =	sgt.s32 s7, $0x0  }
0xe: {  	s7 =	simm.s32 @!p1 $0x0  }
0xf: {  	s6 =	simm.s32 @!p0 $0x3E;
	s31 =	smulhi.u32 $0x10624DD3, s7  }
0x10: {  	_ =	swait.ge @!p0 [sflag:s6], $0x500  }
0x11: {  	[sflag:s6] =	ssyncset.done @!p0 $0x0;
	s8 =	sshrl.u32 s31, $0x9  }
0x12: {  	s11 =	simm.s32 $0x0;
	[sflag:s6] =	ssyncadd.s32 @!p0 $0xFFFFFB00;
	s9 =	smul.u32 $0x1F40, s8  }
.Ltmp0:
0x13: {  	s6 =	simm.s32 $0x2;
	[bflag:$0x0] =	sbarrier.arrive $0xFFFF;
	(pc) =	sbr.rel .LBB2_1-.Ltmp0, $4  }
0x14: {  	s10 =	smov.u32 s3;
	[sflag:s5] =	ssyncpa.u1 $0x1;
	s5 =	simm.s32 $0x1  }
0x15: {  	[sflag:s5] =	ssyncpa.u1 $0x0;
	p1 =	sne.s32 s7, s9;
	s9 =	simm.s32 $0x1  }
0x16: {  	(ifvalue) =	ssetifvalue $0x2800;
	[sflag:s6] =	ssyncpa.u1 $0x0;
	s9 =	simm.s32 @!p1 $0x0  }
0x17: {  	vm0 =	vmmov $0xffff;
	s7 =	sadd.s32 $0x5000, s2;
	s8 =	sadd.s32 s9, s8;
	s9 =	simm.s32 $0x0  }
.LBB2_5:
0x18: {  	p2 =	sne.s32 s11, s8  }
.Ltmp1:
0x19: {  	_ = 	snop;
	(pc) =	sbr.rel @!p2 .LBB2_6-.Ltmp1, $4  }
0x1a: {  	_ = 	snop  }
0x1b: {  	s12 =	sadd.s32 $0x1F40, s10  }
0x1c: {  	s10 =	smov.u32 s3;
	s13 =	sadd.s32 $0x1, s11;
	p1 =	slt.s32 s12, s4  }
0x1d: {  	s11 =	smov.u32 s13;
	s10 =	smov.u32 @p1 s12  }
.LBB2_1:
0x1e: {  	p1 =	sge.u32 s11, s8  }
0x1f: {  	s12 =	sxor.u32 @!p1 $0xFFFFFFFF, s11  }
0x20: {  	s12 =	sand.u32 @!p1 $0x1, s12  }
0x21: {  	s12 =	smul.u32 @!p1 $0x1F40, s12  }
0x22: {  	s13 =	sshrl.u32 @!p1 s10, $0x3  }
0x23: {  	s16 =	sand.u32 @!p1 $0x7, s10;
	s14 =	sadd.s32 @!p1 s2, s13;
	s15 =	sadd.s32 @!p1 $0x280, s12  }
0x24: {  	[tilespmem:s15], [sflag:$0x2] =	stream.linear.gather @!p1 [hbm4b:s14+s16], $0x1F40, $0x38;
	[tilespmem:$0x7F80] =	vst v63  }
0x25: {  	s13 =	sadd.s32 @!p1 s7, s13;
	s12 =	sadd.s32 @!p1 $0x4100, s12  }
0x26: {  	[tilespmem:s12], [sflag:$0x2] =	stream.linear.gather @!p1 [hbm4b:s13+s16], $0x1F40, $0x38;
	[tilespmem:$0x7F80] =	vst v63  }
0x27: {  	p1 =	seq.s32 s11, $0x0  }
.Ltmp2:
0x28: {  	_ = 	snop;
	(pc) =	sbr.rel @p1 .LBB2_5-.Ltmp2, $1  }
0x29: {  	_ =	sdelay $0x3  }
0x2a: {  	s12 =	sand.u32 $0x1, s11  }
0x2b: {  	_ =	swait.ge [sflag:s6], $0x3E80;
	p1 =	seq.s32 s12, $0x1;
	s12 =	simm.s32 $0x1F40  }
0x2c: {  	[sflag:s6] =	ssyncset.done $0x0;
	s12 =	simm.s32 @!p1 $0x0  }
0x2d: {  	[sflag:s6] =	ssyncadd.s32 $0xFFFFC180;
	s14 =	sadd.s32 $0x280, s12  }
0x2e: {  	v0 =	vld.msk [tilespmem:s14+$0x0 ss:$0x1], $0xffff;
	_ =	sdelay $0x4  }
0x2f: {  	v0 =	vmin.u32 v0, $0x2800;
	_ =	sdelay $0x3  }
0x30: {  	s13 =	simm.s32 $0x0;
	s12 =	sadd.s32 $0x4100, s12;
	s14 =	sadd.s32 $0x10, s14  }
0x31: {  	[spmem:s9] =	stream.indirect_vreg.scatter.add.s32 [tilespmem:s12], [sflag:$0x1], $0x1, v0, vm0, $0x4038;
	[tilespmem:$0x7F80] =	vst v63  }
.LBB2_3:
0x32: {  	v0 =	vld.msk [tilespmem:s14+$0x0 ss:$0x1], $0xffff;
	s13 =	sadd.s32 $0x10, s13  }
0x33: {  	p1 =	slt.u32 s13, $0x1F30;
	_ =	sdelay $0x4  }
0x34: {  	v0 =	vmin.u32 v0, $0x2800  }
.Ltmp3:
0x35: {  	(pc) =	sbr.rel @p1 .LBB2_3-.Ltmp3, $3  }
0x36: {  	_ =	sdelay $0x1  }
0x37: {  	s14 =	sadd.s32 $0x10, s14;
	s12 =	sadd.s32 $0x10, s12  }
0x38: {  	[spmem:s9] =	stream.indirect_vreg.scatter.add.s32 [tilespmem:s12], [sflag:$0x1], $0x1, v0, vm0, $0x4038;
	[tilespmem:$0x7F80] =	vst v63  }
.Ltmp4:
0x39: {  	(pc) =	sbr.rel .LBB2_5-.Ltmp4, $4  }
0x3a: {  	_ = 	snop  }
0x3b: {  	_ =	swait.ge [sflag:s5], $0x1F40  }
0x3c: {  	[sflag:s5] =	ssyncset.done $0x0  }
0x3d: {  	[sflag:s5] =	ssyncadd.s32 $0xFFFFE0C0  }
.LBB2_6:
0x3e: {  	_ =	sfence.sel $0x180000  }
0x3f: {  	s2 =	simm.s32 $0x2;
	[bflag:$0x0] =	sbarrier.arrive $0xFFFF  }
0x40: {  	s30 =	simm.s32 $0x1;
	[sflag:s2] =	ssyncpa.u1 $0x1  }
0x41: {  	[sflag:s30] =	ssyncpa.u1 $0x1  }
0x42: {  	_ =	sfence.stream.spmem  }
0x43: {  	s31 =	simm.s32 $0x3D;
	[bflag:$0x0] =	sbarrier.arrive $0xFFFF  }
0x44: {  	s2 =	simm.s32 @p0 $0x3D;
	[sflag:s31] =	ssyncpa.u1 $0x0  }
0x45: {  	[sflag:s2] =	ssyncpa.u1 @p0 $0x1  }
0x46: {  	[bflag:$0x0] =	sbarrier.arrive @p0 $0xFFFF  }
0x47: {  	_ =	strace @p0 $0x90000047  }
0x48: {  	s3 =	simm.s32 @!p0 $0x1C3D;
	s2 =	simm.s32 @!p0 $0x0;
	[bflag:$0x2] =	sbarrier.arrive @p0 $0xFFFF  }
0x49: {  	[hbm:s1], [sflag:s3] =	dma.local @!p0 [spmem:s2], $0x500  }
0x4a: {  	s1 =	simm.s32 @!p0 $0x3D  }
0x4b: {  	_ =	swait.ge @!p0 [sflag:s1], $0x500  }
0x4c: {  	[sflag:s1] =	ssyncset.done @!p0 $0x0  }
0x4d: {  	[sflag:s1] =	ssyncadd.s32 @!p0 $0xFFFFFB00  }
0x4e: {  	[sflag:s1] =	ssyncpa.u1 @!p0 $0x1  }
0x4f: {  	[bflag:$0x0] =	sbarrier.arrive @!p0 $0xFFFF  }
0x50: {  	_ =	strace @!p0 $0x90000047  }
0x51: {  	s0 =	sadd.s32 @!p0 $0x100000, s0;
	[bflag:$0x2] =	sbarrier.arrive @!p0 $0xFFFF  }
0x52: {  	[sflag:s0] =	ssyncadd.tile.s32 @!p0 $0x1;
	_ =	shalt  }
.Lfunc_end2:
_tile_overlayer_lowered:
.L_overlay_start_2:
0x53: {  	(tag) =	ssettag $0x2  }
0x54: {  	s0 =	rddreg [dreg:$0x0];
	s2 =	stileid.u32  }
0x55: {  	s1 =	rddreg [dreg:$0x1];
	p0 =	sne.s32 s2, $0x0  }
0x56: {  	s3 =	rddreg [dreg:$0x2];
	[bflag:$0x3] =	sbarrier.arrive $0xFFFF;
	s2 =	simm.s32 @!p0 $0x1C01  }
0x57: {  	[timem:s3], [sflag:s2] =	dma.local @!p0 [hbm:s0], s1  }
0x58: {  	s0 =	simm.s32 @!p0 $0x1  }
0x59: {  	_ =	swait.ge @!p0 [sflag:s0], s1  }
0x5a: {  	s1 =	ssub.s32 @!p0 $0x0, s1;
	[sflag:s0] =	ssyncset.done @!p0 $0x0  }
0x5b: {  	[sflag:s0] =	ssyncadd.s32 @!p0 s1  }
0x5c: {  	[bflag:$0x3] =	sbarrier.arrive $0xFFFF  }
0x5d: {  	_ =	shalt  }

</sc_bundles>
